<compile_context>
chip_gen: v7x
topology: tpu7x:2x2x1
jax: 0.10.2.dev20260603
libtpu: 0.0.44.dev20260713+nightly
codegen_flags: <defaults>
</compile_context>

<pallas_src>
import functools

import jax
import jax.numpy as jnp
from jax import lax
from jax.experimental import pallas as pl
from jax.experimental.pallas import tpu as pltpu, tpu_sc as plsc

B, L = 4096, 50
DIM = 128
BLOCK_LEN = 4
N_BLOCKS = DIM // BLOCK_LEN
N_CODES = 16

N = B * L
NC, NS = 2, 16
NW = NC * NS
ROWS_PER_W = N // NW
CHUNK = 128
NCHUNK = ROWS_PER_W // CHUNK
PACK = 4
NBUF = 2


def _decode_body(idx_hbm, codes_hbm, cb_hbm, out_hbm,
                 idx_v, q_v, codes_v, out_v, cb_v, rsplat_v, gsem, osem):
    wid = lax.axis_index("s") * NC + lax.axis_index("c")
    base = wid * ROWS_PER_W

    pltpu.sync_copy(cb_hbm, cb_v)

    def start_gather(b, cbase):
        pltpu.sync_copy(idx_hbm.at[pl.ds(cbase, CHUNK)], idx_v[b])

        @pl.loop(0, CHUNK // 16)
        def qbody(j):
            q_v[b][pl.ds(j * 16, 16)] = idx_v[b][pl.ds(j * 16, 16)] >> 2

        pltpu.async_copy(codes_hbm.at[q_v[b]], codes_v[b], gsem[b])

    for b in range(NBUF):
        start_gather(b, base + b * CHUNK)

    @pl.loop(0, NCHUNK, step=NBUF)
    def chunk_body(g):
        for b in range(NBUF):
            cbase = base + (g + b) * CHUNK
            pltpu.make_async_copy(codes_hbm.at[q_v[b]], codes_v[b],
                                  gsem[b]).wait()
            @pl.when(g > 0)
            def _wait_out():
                pltpu.make_async_copy(
                    out_v[b], out_hbm.at[pl.ds(cbase - NBUF * CHUNK, CHUNK)],
                    osem[b]).wait()

            rsplat_v[...] = jnp.zeros((16,), jnp.int32)

            @pl.loop(0, CHUNK)
            def row_body(r):
                lane = lax.iota(jnp.int32, 16)
                rep = lane >> 2
                pos = lane & 3
                rvec = rsplat_v[...]
                mvec = plsc.load_gather(idx_v[b], [rvec]) & 3
                col0 = mvec << 5
                codes_t = [plsc.load_gather(codes_v[b],
                                            [rvec, col0 + (t * 4 + rep)])
                           for t in range(DIM // 16)]
                vals_t = [plsc.load_gather(cb_v, [(c << 2) + pos])
                          for c in codes_t]
                for t in range(DIM // 16):
                    out_v[b][r, pl.ds(t * 16, 16)] = vals_t[t]
                rsplat_v[...] = rvec + 1

            @pl.when(g + b + NBUF < NCHUNK)
            def _next_gather():
                start_gather(b, cbase + NBUF * CHUNK)

            pltpu.async_copy(out_v[b], out_hbm.at[pl.ds(cbase, CHUNK)],
                             osem[b])

    for b in range(NBUF):
        last = base + (NCHUNK - NBUF + b) * CHUNK
        pltpu.make_async_copy(out_v[b], out_hbm.at[pl.ds(last, CHUNK)],
                              osem[b]).wait()


@jax.jit
def _decode(idx, codes2, cb_flat):
    mesh = plsc.VectorSubcoreMesh(core_axis_name="c", subcore_axis_name="s")
    return pl.kernel(
        _decode_body,
        out_type=jax.ShapeDtypeStruct((N, DIM), jnp.float32),
        mesh=mesh,
        compiler_params=pltpu.CompilerParams(needs_layout_passes=False),
        scratch_types=[
            [pltpu.VMEM((CHUNK,), jnp.int32) for _ in range(NBUF)],
            [pltpu.VMEM((CHUNK,), jnp.int32) for _ in range(NBUF)],
            [pltpu.VMEM((CHUNK, DIM), jnp.int32) for _ in range(NBUF)],
            [pltpu.VMEM((CHUNK, DIM), jnp.float32) for _ in range(NBUF)],
            pltpu.VMEM((N_CODES * BLOCK_LEN,), jnp.float32),
            pltpu.VMEM((16,), jnp.int32),
            [pltpu.SemaphoreType.DMA for _ in range(NBUF)],
            [pltpu.SemaphoreType.DMA for _ in range(NBUF)],
        ],
    )(idx, codes2, cb_flat)


def kernel(input, codes, codebook):
    idx = input.reshape(-1).astype(jnp.int32)
    codes2 = codes.reshape(codes.shape[0] // PACK, N_BLOCKS * PACK)
    cb_flat = codebook.reshape(-1)
    out = _decode(idx, codes2, cb_flat)
    return out.reshape(input.shape + (DIM,))

# --- scband reference (transcript-rebuilt; emitter-appended) ---
"""Pipeline reference for scband-smallfry-88356067214102 (READ-ONLY COPY).

The authoritative reference and input builder live on the scoring server;
editing this copy changes nothing except your own understanding.
"""

import jax, jax.numpy as jnp
import numpy as np

VOCAB = 100000
B, L = 4096, 50
DIM = 128
BLOCK_LEN = 4
N_BLOCKS = DIM // BLOCK_LEN  # 32
N_CODES = 16  # 2**b with b=4


def setup_inputs(seed: int = 0) -> dict:
    key = jax.random.key(seed)
    k1, k2, k3 = jax.random.split(key, 3)
    # query indices into the compressed embedding table
    input = jax.random.randint(k1, (B, L), 0, VOCAB, dtype=jnp.int64)
    # dense int representation of bin_rep: per-embedding sequence of codebook ids
    # (bin_rep stores b=4 bits per block; here materialized as int32 code ids)
    codes = jax.random.randint(k2, (VOCAB, N_BLOCKS), 0, N_CODES, dtype=jnp.int32)
    # codebook: 2**b centroids, each a block of length block_len (Lloyd-Max centers)
    codebook = jax.random.normal(k3, (N_CODES, BLOCK_LEN), dtype=jnp.float32)
    return {"input": input, "codes": codes, "codebook": codebook}


def reference(input, codes, codebook):
    # Smallfry.forward -> decode(idx_tensor):
    # for each embedding id, read its b*dim bits, decode each b-bit chunk via the
    # codebook into a block of block_len floats, concatenate into a dim-vector,
    # and reshape to idx_tensor.shape + (dim,).
    per_emb_codes = jnp.take(codes, input, axis=0)          # [B, L, N_BLOCKS]
    blocks = jnp.take(codebook, per_emb_codes, axis=0)       # [B, L, N_BLOCKS, BLOCK_LEN]
    embed_query = blocks.reshape(input.shape + (DIM,))       # [B, L, DIM]
    # requires_grad=False in original: output treated as a constant lookup
    return embed_query

if __name__ == "__main__":
    import jax
    _d = setup_inputs()
    print(jax.jit(kernel)(*tuple(_d.values())))

</pallas_src>

<mosaic_0001>
#map = affine_map<(d0, d1) -> (0)>
#map1 = affine_map<(d0, d1) -> (0, 0)>
module attributes {stable_mosaic.version = 14 : i64} {
  func.func @_decode_body(%arg0: i32, %arg1: i32, %arg2: memref<204800xi32, #tpu.memory_space<hbm>>, %arg3: memref<25000x128xi32, #tpu.memory_space<hbm>>, %arg4: memref<64xf32, #tpu.memory_space<hbm>>, %arg5: memref<204800x128xf32, #tpu.memory_space<hbm>>, %arg6: memref<128xi32, #tpu.memory_space<vmem>>, %arg7: memref<128xi32, #tpu.memory_space<vmem>>, %arg8: memref<128xi32, #tpu.memory_space<vmem>>, %arg9: memref<128xi32, #tpu.memory_space<vmem>>, %arg10: memref<128x128xi32, #tpu.memory_space<vmem>>, %arg11: memref<128x128xi32, #tpu.memory_space<vmem>>, %arg12: memref<128x128xf32, #tpu.memory_space<vmem>>, %arg13: memref<128x128xf32, #tpu.memory_space<vmem>>, %arg14: memref<64xf32, #tpu.memory_space<vmem>>, %arg15: memref<16xi32, #tpu.memory_space<vmem>>, %arg16: memref<!tpu.dma_semaphore, #tpu.memory_space<semaphore_mem>>, %arg17: memref<!tpu.dma_semaphore, #tpu.memory_space<semaphore_mem>>, %arg18: memref<!tpu.dma_semaphore, #tpu.memory_space<semaphore_mem>>, %arg19: memref<!tpu.dma_semaphore, #tpu.memory_space<semaphore_mem>>) attributes {dimension_semantics = [#tpu.dimension_semantics<core_parallel>, #tpu.dimension_semantics<subcore_parallel>], iteration_bounds = array<i64: 2, 16>, scalar_prefetch = 0 : i64, scratch_operands = 14 : i64, tpu.core_type = #tpu.core_type<sc_vector_subcore>, window_params = [{transform_indices = #map}, {transform_indices = #map1}, {transform_indices = #map}, {transform_indices = #map1}]} {
    %mul3A = arith.constant 2 : i32
    %mul3A_0 = arith.muli %arg1, %mul3A : i32
    %add3A = arith.addi %mul3A_0, %arg0 : i32
    %mul3A_1 = arith.constant 6400 : i32
    %mul3A_2 = arith.muli %add3A, %mul3A_1 : i32
    "tpu.region"() ({
      %run_scoped3A = tpu.sem_alloc : memref<!tpu.dma_semaphore, #tpu.memory_space<semaphore_mem>>
      tpu.enqueue_dma source(%arg4 : memref<64xf32, #tpu.memory_space<hbm>>) target(%arg14 : memref<64xf32, #tpu.memory_space<vmem>>) target_semaphore(%run_scoped3A : memref<!tpu.dma_semaphore, #tpu.memory_space<semaphore_mem>>)
      tpu.wait_dma2 semaphore(%run_scoped3A : memref<!tpu.dma_semaphore, #tpu.memory_space<semaphore_mem>>) src(%arg4 : memref<64xf32, #tpu.memory_space<hbm>>) dst(%arg14 : memref<64xf32, #tpu.memory_space<vmem>>)
      tpu.yield
    }) : () -> ()
    %add3A_3 = arith.constant 0 : i32
    %add3A_4 = arith.addi %mul3A_2, %add3A_3 : i32
    "tpu.region"() ({
      %run_scoped3A = tpu.sem_alloc : memref<!tpu.dma_semaphore, #tpu.memory_space<semaphore_mem>>
      %dma_start3A_37 = tpu.memref_slice %arg2[%add3A_4] : memref<204800xi32, #tpu.memory_space<hbm>> -> memref<128xi32, #tpu.memory_space<hbm>>
      %dma_start3A_38 = tpu.memref_slice %arg2[%add3A_4] : memref<204800xi32, #tpu.memory_space<hbm>> -> memref<128xi32, #tpu.memory_space<hbm>>
      tpu.enqueue_dma source(%dma_start3A_38 : memref<128xi32, #tpu.memory_space<hbm>>) target(%arg6 : memref<128xi32, #tpu.memory_space<vmem>>) target_semaphore(%run_scoped3A : memref<!tpu.dma_semaphore, #tpu.memory_space<semaphore_mem>>)
      %dma_wait3A_39 = tpu.memref_slice %arg2[%add3A_4] : memref<204800xi32, #tpu.memory_space<hbm>> -> memref<128xi32, #tpu.memory_space<hbm>>
      %dma_wait3A_40 = tpu.memref_slice %arg2[%add3A_4] : memref<204800xi32, #tpu.memory_space<hbm>> -> memref<128xi32, #tpu.memory_space<hbm>>
      tpu.wait_dma2 semaphore(%run_scoped3A : memref<!tpu.dma_semaphore, #tpu.memory_space<semaphore_mem>>) src(%dma_wait3A_40 : memref<128xi32, #tpu.memory_space<hbm>>) dst(%arg6 : memref<128xi32, #tpu.memory_space<vmem>>)
      tpu.yield
    }) : () -> ()
    %scan3A = arith.constant 0 : i32
    %scan3A_5 = arith.constant 8 : i32
    %scan3A_6 = arith.addi %scan3A, %scan3A_5 : i32
    %scan3A_7 = arith.constant 1 : i32
    scf.for %scan3A_37 = %scan3A to %scan3A_6 step %scan3A_7  : i32 {
      %mul3A_38 = arith.constant 1 : i32
      %mul3A_39 = arith.muli %scan3A_37, %mul3A_38 : i32
      %add3A_40 = arith.constant 0 : i32
      %add3A_41 = arith.addi %add3A_40, %mul3A_39 : i32
      %mul3A_42 = arith.constant 16 : i32
      %mul3A_43 = arith.muli %add3A_41, %mul3A_42 : i32
      %get3A = arith.index_cast %mul3A_43 : i32 to index
      %get3A_44 = tpu.vector_load %arg6[%get3A] {strides = array<i32>} : memref<128xi32, #tpu.memory_space<vmem>>, vector<16xi32>,
      %shift_right_arithmetic3A = arith.constant 2 : i32
      %shift_right_arithmetic3A_45 = vector.broadcast %shift_right_arithmetic3A : i32 to vector<16xi32>
      %shift_right_arithmetic3A_46 = arith.shrsi %get3A_44, %shift_right_arithmetic3A_45 : vector<16xi32>
      %mul3A_47 = arith.constant 16 : i32
      %mul3A_48 = arith.muli %add3A_41, %mul3A_47 : i32
      %swap3A = arith.index_cast %mul3A_48 : i32 to index
      %swap3A_49 = tpu.vector_load %arg8[%swap3A] {strides = array<i32>} : memref<128xi32, #tpu.memory_space<vmem>>, vector<16xi32>,
      tpu.vector_store %arg8[%swap3A], %shift_right_arithmetic3A_46 {strides = array<i32>} : memref<128xi32, #tpu.memory_space<vmem>>, vector<16xi32>,
    }
    %scan3A_8 = arith.constant 8 : i32
    %dma_start3A = arith.constant 0 : i32
    %dma_start3A_9 = arith.constant 0 : i32
    %dma_start3A_10 = tpu.memref_slice %arg3[%dma_start3A, %dma_start3A_9] : memref<25000x128xi32, #tpu.memory_space<hbm>> -> memref<25000x128xi32, #tpu.memory_space<hbm>>
    tpu.enqueue_indirect_dma source(%dma_start3A_10 : memref<25000x128xi32, #tpu.memory_space<hbm>>) target(%arg10 : memref<128x128xi32, #tpu.memory_space<vmem>>) offsets(%arg8 : memref<128xi32, #tpu.memory_space<vmem>>) semaphore(%arg16 : memref<!tpu.dma_semaphore, #tpu.memory_space<semaphore_mem>>)
    %add3A_11 = arith.constant 128 : i32
    %add3A_12 = arith.addi %mul3A_2, %add3A_11 : i32
    "tpu.region"() ({
      %run_scoped3A = tpu.sem_alloc : memref<!tpu.dma_semaphore, #tpu.memory_space<semaphore_mem>>
      %dma_start3A_37 = tpu.memref_slice %arg2[%add3A_12] : memref<204800xi32, #tpu.memory_space<hbm>> -> memref<128xi32, #tpu.memory_space<hbm>>
      %dma_start3A_38 = tpu.memref_slice %arg2[%add3A_12] : memref<204800xi32, #tpu.memory_space<hbm>> -> memref<128xi32, #tpu.memory_space<hbm>>
      tpu.enqueue_dma source(%dma_start3A_38 : memref<128xi32, #tpu.memory_space<hbm>>) target(%arg7 : memref<128xi32, #tpu.memory_space<vmem>>) target_semaphore(%run_scoped3A : memref<!tpu.dma_semaphore, #tpu.memory_space<semaphore_mem>>)
      %dma_wait3A_39 = tpu.memref_slice %arg2[%add3A_12] : memref<204800xi32, #tpu.memory_space<hbm>> -> memref<128xi32, #tpu.memory_space<hbm>>
      %dma_wait3A_40 = tpu.memref_slice %arg2[%add3A_12] : memref<204800xi32, #tpu.memory_space<hbm>> -> memref<128xi32, #tpu.memory_space<hbm>>
      tpu.wait_dma2 semaphore(%run_scoped3A : memref<!tpu.dma_semaphore, #tpu.memory_space<semaphore_mem>>) src(%dma_wait3A_40 : memref<128xi32, #tpu.memory_space<hbm>>) dst(%arg7 : memref<128xi32, #tpu.memory_space<vmem>>)
      tpu.yield
    }) : () -> ()
    %scan3A_13 = arith.constant 0 : i32
    %scan3A_14 = arith.constant 8 : i32
    %scan3A_15 = arith.addi %scan3A_13, %scan3A_14 : i32
    %scan3A_16 = arith.constant 1 : i32
    scf.for %scan3A_37 = %scan3A_13 to %scan3A_15 step %scan3A_16  : i32 {
      %mul3A_38 = arith.constant 1 : i32
      %mul3A_39 = arith.muli %scan3A_37, %mul3A_38 : i32
      %add3A_40 = arith.constant 0 : i32
      %add3A_41 = arith.addi %add3A_40, %mul3A_39 : i32
      %mul3A_42 = arith.constant 16 : i32
      %mul3A_43 = arith.muli %add3A_41, %mul3A_42 : i32
      %get3A = arith.index_cast %mul3A_43 : i32 to index
      %get3A_44 = tpu.vector_load %arg7[%get3A] {strides = array<i32>} : memref<128xi32, #tpu.memory_space<vmem>>, vector<16xi32>,
      %shift_right_arithmetic3A = arith.constant 2 : i32
      %shift_right_arithmetic3A_45 = vector.broadcast %shift_right_arithmetic3A : i32 to vector<16xi32>
      %shift_right_arithmetic3A_46 = arith.shrsi %get3A_44, %shift_right_arithmetic3A_45 : vector<16xi32>
      %mul3A_47 = arith.constant 16 : i32
      %mul3A_48 = arith.muli %add3A_41, %mul3A_47 : i32
      %swap3A = arith.index_cast %mul3A_48 : i32 to index
      %swap3A_49 = tpu.vector_load %arg9[%swap3A] {strides = array<i32>} : memref<128xi32, #tpu.memory_space<vmem>>, vector<16xi32>,
      tpu.vector_store %arg9[%swap3A], %shift_right_arithmetic3A_46 {strides = array<i32>} : memref<128xi32, #tpu.memory_space<vmem>>, vector<16xi32>,
    }
    %scan3A_17 = arith.constant 8 : i32
    %dma_start3A_18 = arith.constant 0 : i32
    %dma_start3A_19 = arith.constant 0 : i32
    %dma_start3A_20 = tpu.memref_slice %arg3[%dma_start3A_18, %dma_start3A_19] : memref<25000x128xi32, #tpu.memory_space<hbm>> -> memref<25000x128xi32, #tpu.memory_space<hbm>>
    tpu.enqueue_indirect_dma source(%dma_start3A_20 : memref<25000x128xi32, #tpu.memory_space<hbm>>) target(%arg11 : memref<128x128xi32, #tpu.memory_space<vmem>>) offsets(%arg9 : memref<128xi32, #tpu.memory_space<vmem>>) semaphore(%arg17 : memref<!tpu.dma_semaphore, #tpu.memory_space<semaphore_mem>>)
    %scan3A_21 = arith.constant 0 : i32
    %scan3A_22 = arith.constant 25 : i32
    %scan3A_23 = arith.addi %scan3A_21, %scan3A_22 : i32
    %scan3A_24 = arith.constant 1 : i32
    scf.for %scan3A_37 = %scan3A_21 to %scan3A_23 step %scan3A_24  : i32 {
      %mul3A_38 = arith.constant 2 : i32
      %mul3A_39 = arith.muli %scan3A_37, %mul3A_38 : i32
      %add3A_40 = arith.constant 0 : i32
      %add3A_41 = arith.addi %add3A_40, %mul3A_39 : i32
      %add3A_42 = arith.constant 0 : i32
      %add3A_43 = arith.addi %add3A_41, %add3A_42 : i32
      %mul3A_44 = arith.constant 128 : i32
      %mul3A_45 = arith.muli %add3A_43, %mul3A_44 : i32
      %add3A_46 = arith.addi %mul3A_2, %mul3A_45 : i32
      %dma_wait3A_47 = arith.constant 0 : i32
      %dma_wait3A_48 = arith.constant 0 : i32
      %dma_wait3A_49 = tpu.memref_slice %arg3[%dma_wait3A_47, %dma_wait3A_48] : memref<25000x128xi32, #tpu.memory_space<hbm>> -> memref<25000x128xi32, #tpu.memory_space<hbm>>
      tpu.wait_indirect_dma semaphore(%arg16 : memref<!tpu.dma_semaphore, #tpu.memory_space<semaphore_mem>>) src(%dma_wait3A_49 : memref<25000x128xi32, #tpu.memory_space<hbm>>) dst(%arg10 : memref<128x128xi32, #tpu.memory_space<vmem>>)
      %gt3A = arith.constant 0 : i32
      %gt3A_50 = arith.cmpi sgt, %add3A_41, %gt3A : i32
      %convert_element_type3A = arith.extui %gt3A_50 : i1 to i32
      %cond3A = arith.constant 0 : i32
      %cond3A_51 = arith.cmpi ne, %convert_element_type3A, %cond3A : i32
      scf.if %cond3A_51 {
        %sub3A = arith.constant 256 : i32
        %sub3A_106 = arith.subi %add3A_46, %sub3A : i32
        %dma_wait3A_107 = arith.constant 0 : i32
        %dma_wait3A_108 = tpu.memref_slice %arg5[%sub3A_106, %dma_wait3A_107] : memref<204800x128xf32, #tpu.memory_space<hbm>> -> memref<128x128xf32, #tpu.memory_space<hbm>>
        %dma_wait3A_109 = arith.constant 0 : i32
        %dma_wait3A_110 = tpu.memref_slice %arg5[%sub3A_106, %dma_wait3A_109] : memref<204800x128xf32, #tpu.memory_space<hbm>> -> memref<128x128xf32, #tpu.memory_space<hbm>>
        tpu.wait_dma2 semaphore(%arg18 : memref<!tpu.dma_semaphore, #tpu.memory_space<semaphore_mem>>) src(%arg12 : memref<128x128xf32, #tpu.memory_space<vmem>>) dst(%dma_wait3A_110 : memref<128x128xf32, #tpu.memory_space<hbm>>)
      } else {
      }
      %broadcast_in_dim3A = arith.constant 0 : i32
      %broadcast_in_dim3A_52 = vector.broadcast %broadcast_in_dim3A : i32 to vector<16xi32>
      %swap3A = arith.constant 0 : index
      %swap3A_53 = tpu.vector_load %arg15[%swap3A] {strides = array<i32>} : memref<16xi32, #tpu.memory_space<vmem>>, vector<16xi32>,
      tpu.vector_store %arg15[%swap3A], %broadcast_in_dim3A_52 {strides = array<i32>} : memref<16xi32, #tpu.memory_space<vmem>>, vector<16xi32>,
      %scan3A_54 = arith.constant 0 : i32
      %scan3A_55 = arith.constant 128 : i32
      %scan3A_56 = arith.addi %scan3A_54, %scan3A_55 : i32
      %scan3A_57 = arith.constant 1 : i32
      scf.for %scan3A_106 = %scan3A_54 to %scan3A_56 step %scan3A_57  : i32 {
        %mul3A_107 = arith.constant 1 : i32
        %mul3A_108 = arith.muli %scan3A_106, %mul3A_107 : i32
        %add3A_109 = arith.constant 0 : i32
        %add3A_110 = arith.addi %add3A_109, %mul3A_108 : i32
        %iota3A = tpu.iota {dimensions = array<i32: 0>} : vector<16xi32>
        %shift_right_arithmetic3A = arith.constant 2 : i32
        %shift_right_arithmetic3A_111 = vector.broadcast %shift_right_arithmetic3A : i32 to vector<16xi32>
        %shift_right_arithmetic3A_112 = arith.shrsi %iota3A, %shift_right_arithmetic3A_111 : vector<16xi32>
        %and3A = arith.constant 3 : i32
        %and3A_113 = vector.broadcast %and3A : i32 to vector<16xi32>
        %and3A_114 = arith.andi %iota3A, %and3A_113 : vector<16xi32>
        %get3A = arith.constant 0 : index
        %get3A_115 = tpu.vector_load %arg15[%get3A] {strides = array<i32>} : memref<16xi32, #tpu.memory_space<vmem>>, vector<16xi32>,
        %gather3A = tpu.vector_load_idx %arg6[%get3A_115] : memref<128xi32, #tpu.memory_space<vmem>>[vector<16xi32>], vector<16xi32>,
        %and3A_116 = arith.constant 3 : i32
        %and3A_117 = vector.broadcast %and3A_116 : i32 to vector<16xi32>
        %and3A_118 = arith.andi %gather3A, %and3A_117 : vector<16xi32>
        %shift_left3A = arith.constant 5 : i32
        %shift_left3A_119 = vector.broadcast %shift_left3A : i32 to vector<16xi32>
        %shift_left3A_120 = arith.shli %and3A_118, %shift_left3A_119 : vector<16xi32>
        %add3A_121 = arith.constant 0 : i32
        %add3A_122 = vector.broadcast %add3A_121 : i32 to vector<16xi32>
        %add3A_123 = arith.addi %add3A_122, %shift_right_arithmetic3A_112 : vector<16xi32>
        %add3A_124 = arith.addi %shift_left3A_120, %add3A_123 : vector<16xi32>
        %gather3A_125 = tpu.vector_load_idx %arg10[%get3A_115, %add3A_124] : memref<128x128xi32, #tpu.memory_space<vmem>>[vector<16xi32>, vector<16xi32>], vector<16xi32>,
        %add3A_126 = arith.constant 4 : i32
        %add3A_127 = vector.broadcast %add3A_126 : i32 to vector<16xi32>
        %add3A_128 = arith.addi %add3A_127, %shift_right_arithmetic3A_112 : vector<16xi32>
        %add3A_129 = arith.addi %shift_left3A_120, %add3A_128 : vector<16xi32>
        %gather3A_130 = tpu.vector_load_idx %arg10[%get3A_115, %add3A_129] : memref<128x128xi32, #tpu.memory_space<vmem>>[vector<16xi32>, vector<16xi32>], vector<16xi32>,
        %add3A_131 = arith.constant 8 : i32
        %add3A_132 = vector.broadcast %add3A_131 : i32 to vector<16xi32>
        %add3A_133 = arith.addi %add3A_132, %shift_right_arithmetic3A_112 : vector<16xi32>
        %add3A_134 = arith.addi %shift_left3A_120, %add3A_133 : vector<16xi32>
        %gather3A_135 = tpu.vector_load_idx %arg10[%get3A_115, %add3A_134] : memref<128x128xi32, #tpu.memory_space<vmem>>[vector<16xi32>, vector<16xi32>], vector<16xi32>,
        %add3A_136 = arith.constant 12 : i32
        %add3A_137 = vector.broadcast %add3A_136 : i32 to vector<16xi32>
        %add3A_138 = arith.addi %add3A_137, %shift_right_arithmetic3A_112 : vector<16xi32>
        %add3A_139 = arith.addi %shift_left3A_120, %add3A_138 : vector<16xi32>
        %gather3A_140 = tpu.vector_load_idx %arg10[%get3A_115, %add3A_139] : memref<128x128xi32, #tpu.memory_space<vmem>>[vector<16xi32>, vector<16xi32>], vector<16xi32>,
        %add3A_141 = arith.constant 16 : i32
        %add3A_142 = vector.broadcast %add3A_141 : i32 to vector<16xi32>
        %add3A_143 = arith.addi %add3A_142, %shift_right_arithmetic3A_112 : vector<16xi32>
        %add3A_144 = arith.addi %shift_left3A_120, %add3A_143 : vector<16xi32>
        %gather3A_145 = tpu.vector_load_idx %arg10[%get3A_115, %add3A_144] : memref<128x128xi32, #tpu.memory_space<vmem>>[vector<16xi32>, vector<16xi32>], vector<16xi32>,
        %add3A_146 = arith.constant 20 : i32
        %add3A_147 = vector.broadcast %add3A_146 : i32 to vector<16xi32>
        %add3A_148 = arith.addi %add3A_147, %shift_right_arithmetic3A_112 : vector<16xi32>
        %add3A_149 = arith.addi %shift_left3A_120, %add3A_148 : vector<16xi32>
        %gather3A_150 = tpu.vector_load_idx %arg10[%get3A_115, %add3A_149] : memref<128x128xi32, #tpu.memory_space<vmem>>[vector<16xi32>, vector<16xi32>], vector<16xi32>,
        %add3A_151 = arith.constant 24 : i32
        %add3A_152 = vector.broadcast %add3A_151 : i32 to vector<16xi32>
        %add3A_153 = arith.addi %add3A_152, %shift_right_arithmetic3A_112 : vector<16xi32>
        %add3A_154 = arith.addi %shift_left3A_120, %add3A_153 : vector<16xi32>
        %gather3A_155 = tpu.vector_load_idx %arg10[%get3A_115, %add3A_154] : memref<128x128xi32, #tpu.memory_space<vmem>>[vector<16xi32>, vector<16xi32>], vector<16xi32>,
        %add3A_156 = arith.constant 28 : i32
        %add3A_157 = vector.broadcast %add3A_156 : i32 to vector<16xi32>
        %add3A_158 = arith.addi %add3A_157, %shift_right_arithmetic3A_112 : vector<16xi32>
        %add3A_159 = arith.addi %shift_left3A_120, %add3A_158 : vector<16xi32>
        %gather3A_160 = tpu.vector_load_idx %arg10[%get3A_115, %add3A_159] : memref<128x128xi32, #tpu.memory_space<vmem>>[vector<16xi32>, vector<16xi32>], vector<16xi32>,
        %shift_left3A_161 = arith.constant 2 : i32
        %shift_left3A_162 = vector.broadcast %shift_left3A_161 : i32 to vector<16xi32>
        %shift_left3A_163 = arith.shli %gather3A_125, %shift_left3A_162 : vector<16xi32>
        %add3A_164 = arith.addi %shift_left3A_163, %and3A_114 : vector<16xi32>
        %gather3A_165 = tpu.vector_load_idx %arg14[%add3A_164] : memref<64xf32, #tpu.memory_space<vmem>>[vector<16xi32>], vector<16xf32>,
        %shift_left3A_166 = arith.constant 2 : i32
        %shift_left3A_167 = vector.broadcast %shift_left3A_166 : i32 to vector<16xi32>
        %shift_left3A_168 = arith.shli %gather3A_130, %shift_left3A_167 : vector<16xi32>
        %add3A_169 = arith.addi %shift_left3A_168, %and3A_114 : vector<16xi32>
        %gather3A_170 = tpu.vector_load_idx %arg14[%add3A_169] : memref<64xf32, #tpu.memory_space<vmem>>[vector<16xi32>], vector<16xf32>,
        %shift_left3A_171 = arith.constant 2 : i32
        %shift_left3A_172 = vector.broadcast %shift_left3A_171 : i32 to vector<16xi32>
        %shift_left3A_173 = arith.shli %gather3A_135, %shift_left3A_172 : vector<16xi32>
        %add3A_174 = arith.addi %shift_left3A_173, %and3A_114 : vector<16xi32>
        %gather3A_175 = tpu.vector_load_idx %arg14[%add3A_174] : memref<64xf32, #tpu.memory_space<vmem>>[vector<16xi32>], vector<16xf32>,
        %shift_left3A_176 = arith.constant 2 : i32
        %shift_left3A_177 = vector.broadcast %shift_left3A_176 : i32 to vector<16xi32>
        %shift_left3A_178 = arith.shli %gather3A_140, %shift_left3A_177 : vector<16xi32>
        %add3A_179 = arith.addi %shift_left3A_178, %and3A_114 : vector<16xi32>
        %gather3A_180 = tpu.vector_load_idx %arg14[%add3A_179] : memref<64xf32, #tpu.memory_space<vmem>>[vector<16xi32>], vector<16xf32>,
        %shift_left3A_181 = arith.constant 2 : i32
        %shift_left3A_182 = vector.broadcast %shift_left3A_181 : i32 to vector<16xi32>
        %shift_left3A_183 = arith.shli %gather3A_145, %shift_left3A_182 : vector<16xi32>
        %add3A_184 = arith.addi %shift_left3A_183, %and3A_114 : vector<16xi32>
        %gather3A_185 = tpu.vector_load_idx %arg14[%add3A_184] : memref<64xf32, #tpu.memory_space<vmem>>[vector<16xi32>], vector<16xf32>,
        %shift_left3A_186 = arith.constant 2 : i32
        %shift_left3A_187 = vector.broadcast %shift_left3A_186 : i32 to vector<16xi32>
        %shift_left3A_188 = arith.shli %gather3A_150, %shift_left3A_187 : vector<16xi32>
        %add3A_189 = arith.addi %shift_left3A_188, %and3A_114 : vector<16xi32>
        %gather3A_190 = tpu.vector_load_idx %arg14[%add3A_189] : memref<64xf32, #tpu.memory_space<vmem>>[vector<16xi32>], vector<16xf32>,
        %shift_left3A_191 = arith.constant 2 : i32
        %shift_left3A_192 = vector.broadcast %shift_left3A_191 : i32 to vector<16xi32>
        %shift_left3A_193 = arith.shli %gather3A_155, %shift_left3A_192 : vector<16xi32>
        %add3A_194 = arith.addi %shift_left3A_193, %and3A_114 : vector<16xi32>
        %gather3A_195 = tpu.vector_load_idx %arg14[%add3A_194] : memref<64xf32, #tpu.memory_space<vmem>>[vector<16xi32>], vector<16xf32>,
        %shift_left3A_196 = arith.constant 2 : i32
        %shift_left3A_197 = vector.broadcast %shift_left3A_196 : i32 to vector<16xi32>
        %shift_left3A_198 = arith.shli %gather3A_160, %shift_left3A_197 : vector<16xi32>
        %add3A_199 = arith.addi %shift_left3A_198, %and3A_114 : vector<16xi32>
        %gather3A_200 = tpu.vector_load_idx %arg14[%add3A_199] : memref<64xf32, #tpu.memory_space<vmem>>[vector<16xi32>], vector<16xf32>,
        %swap3A_201 = arith.index_cast %add3A_110 : i32 to index
        %swap3A_202 = arith.constant 0 : index
        %swap3A_203 = tpu.vector_load %arg12[%swap3A_201, %swap3A_202] {strides = array<i32>} : memref<128x128xf32, #tpu.memory_space<vmem>>, vector<16xf32>,
        tpu.vector_store %arg12[%swap3A_201, %swap3A_202], %gather3A_165 {strides = array<i32>} : memref<128x128xf32, #tpu.memory_space<vmem>>, vector<16xf32>,
        %swap3A_204 = arith.index_cast %add3A_110 : i32 to index
        %swap3A_205 = arith.constant 16 : index
        %swap3A_206 = tpu.vector_load %arg12[%swap3A_204, %swap3A_205] {strides = array<i32>} : memref<128x128xf32, #tpu.memory_space<vmem>>, vector<16xf32>,
        tpu.vector_store %arg12[%swap3A_204, %swap3A_205], %gather3A_170 {strides = array<i32>} : memref<128x128xf32, #tpu.memory_space<vmem>>, vector<16xf32>,
        %swap3A_207 = arith.index_cast %add3A_110 : i32 to index
        %swap3A_208 = arith.constant 32 : index
        %swap3A_209 = tpu.vector_load %arg12[%swap3A_207, %swap3A_208] {strides = array<i32>} : memref<128x128xf32, #tpu.memory_space<vmem>>, vector<16xf32>,
        tpu.vector_store %arg12[%swap3A_207, %swap3A_208], %gather3A_175 {strides = array<i32>} : memref<128x128xf32, #tpu.memory_space<vmem>>, vector<16xf32>,
        %swap3A_210 = arith.index_cast %add3A_110 : i32 to index
        %swap3A_211 = arith.constant 48 : index
        %swap3A_212 = tpu.vector_load %arg12[%swap3A_210, %swap3A_211] {strides = array<i32>} : memref<128x128xf32, #tpu.memory_space<vmem>>, vector<16xf32>,
        tpu.vector_store %arg12[%swap3A_210, %swap3A_211], %gather3A_180 {strides = array<i32>} : memref<128x128xf32, #tpu.memory_space<vmem>>, vector<16xf32>,
        %swap3A_213 = arith.index_cast %add3A_110 : i32 to index
        %swap3A_214 = arith.constant 64 : index
        %swap3A_215 = tpu.vector_load %arg12[%swap3A_213, %swap3A_214] {strides = array<i32>} : memref<128x128xf32, #tpu.memory_space<vmem>>, vector<16xf32>,
        tpu.vector_store %arg12[%swap3A_213, %swap3A_214], %gather3A_185 {strides = array<i32>} : memref<128x128xf32, #tpu.memory_space<vmem>>, vector<16xf32>,
        %swap3A_216 = arith.index_cast %add3A_110 : i32 to index
        %swap3A_217 = arith.constant 80 : index
        %swap3A_218 = tpu.vector_load %arg12[%swap3A_216, %swap3A_217] {strides = array<i32>} : memref<128x128xf32, #tpu.memory_space<vmem>>, vector<16xf32>,
        tpu.vector_store %arg12[%swap3A_216, %swap3A_217], %gather3A_190 {strides = array<i32>} : memref<128x128xf32, #tpu.memory_space<vmem>>, vector<16xf32>,
        %swap3A_219 = arith.index_cast %add3A_110 : i32 to index
        %swap3A_220 = arith.constant 96 : index
        %swap3A_221 = tpu.vector_load %arg12[%swap3A_219, %swap3A_220] {strides = array<i32>} : memref<128x128xf32, #tpu.memory_space<vmem>>, vector<16xf32>,
        tpu.vector_store %arg12[%swap3A_219, %swap3A_220], %gather3A_195 {strides = array<i32>} : memref<128x128xf32, #tpu.memory_space<vmem>>, vector<16xf32>,
        %swap3A_222 = arith.index_cast %add3A_110 : i32 to index
        %swap3A_223 = arith.constant 112 : index
        %swap3A_224 = tpu.vector_load %arg12[%swap3A_222, %swap3A_223] {strides = array<i32>} : memref<128x128xf32, #tpu.memory_space<vmem>>, vector<16xf32>,
        tpu.vector_store %arg12[%swap3A_222, %swap3A_223], %gather3A_200 {strides = array<i32>} : memref<128x128xf32, #tpu.memory_space<vmem>>, vector<16xf32>,
        %add3A_225 = arith.constant 1 : i32
        %add3A_226 = vector.broadcast %add3A_225 : i32 to vector<16xi32>
        %add3A_227 = arith.addi %get3A_115, %add3A_226 : vector<16xi32>
        %swap3A_228 = arith.constant 0 : index
        %swap3A_229 = tpu.vector_load %arg15[%swap3A_228] {strides = array<i32>} : memref<16xi32, #tpu.memory_space<vmem>>, vector<16xi32>,
        tpu.vector_store %arg15[%swap3A_228], %add3A_227 {strides = array<i32>} : memref<16xi32, #tpu.memory_space<vmem>>, vector<16xi32>,
      }
      %scan3A_58 = arith.constant 128 : i32
      %add3A_59 = arith.constant 0 : i32
      %add3A_60 = arith.addi %add3A_41, %add3A_59 : i32
      %add3A_61 = arith.constant 2 : i32
      %add3A_62 = arith.addi %add3A_60, %add3A_61 : i32
      %lt3A = arith.constant 50 : i32
      %lt3A_63 = arith.cmpi slt, %add3A_62, %lt3A : i32
      %convert_element_type3A_64 = arith.extui %lt3A_63 : i1 to i32
      %cond3A_65 = arith.constant 0 : i32
      %cond3A_66 = arith.cmpi ne, %convert_element_type3A_64, %cond3A_65 : i32
      scf.if %cond3A_66 {
        %add3A_106 = arith.constant 256 : i32
        %add3A_107 = arith.addi %add3A_46, %add3A_106 : i32
        "tpu.region"() ({
          %run_scoped3A = tpu.sem_alloc : memref<!tpu.dma_semaphore, #tpu.memory_space<semaphore_mem>>
          %dma_start3A_116 = tpu.memref_slice %arg2[%add3A_107] : memref<204800xi32, #tpu.memory_space<hbm>> -> memref<128xi32, #tpu.memory_space<hbm>>
          %dma_start3A_117 = tpu.memref_slice %arg2[%add3A_107] : memref<204800xi32, #tpu.memory_space<hbm>> -> memref<128xi32, #tpu.memory_space<hbm>>
          tpu.enqueue_dma source(%dma_start3A_117 : memref<128xi32, #tpu.memory_space<hbm>>) target(%arg6 : memref<128xi32, #tpu.memory_space<vmem>>) target_semaphore(%run_scoped3A : memref<!tpu.dma_semaphore, #tpu.memory_space<semaphore_mem>>)
          %dma_wait3A_118 = tpu.memref_slice %arg2[%add3A_107] : memref<204800xi32, #tpu.memory_space<hbm>> -> memref<128xi32, #tpu.memory_space<hbm>>
          %dma_wait3A_119 = tpu.memref_slice %arg2[%add3A_107] : memref<204800xi32, #tpu.memory_space<hbm>> -> memref<128xi32, #tpu.memory_space<hbm>>
          tpu.wait_dma2 semaphore(%run_scoped3A : memref<!tpu.dma_semaphore, #tpu.memory_space<semaphore_mem>>) src(%dma_wait3A_119 : memref<128xi32, #tpu.memory_space<hbm>>) dst(%arg6 : memref<128xi32, #tpu.memory_space<vmem>>)
          tpu.yield
        }) : () -> ()
        %scan3A_108 = arith.constant 0 : i32
        %scan3A_109 = arith.constant 8 : i32
        %scan3A_110 = arith.addi %scan3A_108, %scan3A_109 : i32
        %scan3A_111 = arith.constant 1 : i32
        scf.for %scan3A_116 = %scan3A_108 to %scan3A_110 step %scan3A_111  : i32 {
          %mul3A_117 = arith.constant 1 : i32
          %mul3A_118 = arith.muli %scan3A_116, %mul3A_117 : i32
          %add3A_119 = arith.constant 0 : i32
          %add3A_120 = arith.addi %add3A_119, %mul3A_118 : i32
          %mul3A_121 = arith.constant 16 : i32
          %mul3A_122 = arith.muli %add3A_120, %mul3A_121 : i32
          %get3A = arith.index_cast %mul3A_122 : i32 to index
          %get3A_123 = tpu.vector_load %arg6[%get3A] {strides = array<i32>} : memref<128xi32, #tpu.memory_space<vmem>>, vector<16xi32>,
          %shift_right_arithmetic3A = arith.constant 2 : i32
          %shift_right_arithmetic3A_124 = vector.broadcast %shift_right_arithmetic3A : i32 to vector<16xi32>
          %shift_right_arithmetic3A_125 = arith.shrsi %get3A_123, %shift_right_arithmetic3A_124 : vector<16xi32>
          %mul3A_126 = arith.constant 16 : i32
          %mul3A_127 = arith.muli %add3A_120, %mul3A_126 : i32
          %swap3A_128 = arith.index_cast %mul3A_127 : i32 to index
          %swap3A_129 = tpu.vector_load %arg8[%swap3A_128] {strides = array<i32>} : memref<128xi32, #tpu.memory_space<vmem>>, vector<16xi32>,
          tpu.vector_store %arg8[%swap3A_128], %shift_right_arithmetic3A_125 {strides = array<i32>} : memref<128xi32, #tpu.memory_space<vmem>>, vector<16xi32>,
        }
        %scan3A_112 = arith.constant 8 : i32
        %dma_start3A_113 = arith.constant 0 : i32
        %dma_start3A_114 = arith.constant 0 : i32
        %dma_start3A_115 = tpu.memref_slice %arg3[%dma_start3A_113, %dma_start3A_114] : memref<25000x128xi32, #tpu.memory_space<hbm>> -> memref<25000x128xi32, #tpu.memory_space<hbm>>
        tpu.enqueue_indirect_dma source(%dma_start3A_115 : memref<25000x128xi32, #tpu.memory_space<hbm>>) target(%arg10 : memref<128x128xi32, #tpu.memory_space<vmem>>) offsets(%arg8 : memref<128xi32, #tpu.memory_space<vmem>>) semaphore(%arg16 : memref<!tpu.dma_semaphore, #tpu.memory_space<semaphore_mem>>)
      } else {
      }
      %dma_start3A_67 = arith.constant 0 : i32
      %dma_start3A_68 = tpu.memref_slice %arg5[%add3A_46, %dma_start3A_67] : memref<204800x128xf32, #tpu.memory_space<hbm>> -> memref<128x128xf32, #tpu.memory_space<hbm>>
      %dma_start3A_69 = arith.constant 0 : i32
      %dma_start3A_70 = tpu.memref_slice %arg5[%add3A_46, %dma_start3A_69] : memref<204800x128xf32, #tpu.memory_space<hbm>> -> memref<128x128xf32, #tpu.memory_space<hbm>>
      tpu.enqueue_dma source(%arg12 : memref<128x128xf32, #tpu.memory_space<vmem>>) target(%dma_start3A_70 : memref<128x128xf32, #tpu.memory_space<hbm>>) target_semaphore(%arg18 : memref<!tpu.dma_semaphore, #tpu.memory_space<semaphore_mem>>)
      %add3A_71 = arith.constant 1 : i32
      %add3A_72 = arith.addi %add3A_41, %add3A_71 : i32
      %mul3A_73 = arith.constant 128 : i32
      %mul3A_74 = arith.muli %add3A_72, %mul3A_73 : i32
      %add3A_75 = arith.addi %mul3A_2, %mul3A_74 : i32
      %dma_wait3A_76 = arith.constant 0 : i32
      %dma_wait3A_77 = arith.constant 0 : i32
      %dma_wait3A_78 = tpu.memref_slice %arg3[%dma_wait3A_76, %dma_wait3A_77] : memref<25000x128xi32, #tpu.memory_space<hbm>> -> memref<25000x128xi32, #tpu.memory_space<hbm>>
      tpu.wait_indirect_dma semaphore(%arg17 : memref<!tpu.dma_semaphore, #tpu.memory_space<semaphore_mem>>) src(%dma_wait3A_78 : memref<25000x128xi32, #tpu.memory_space<hbm>>) dst(%arg11 : memref<128x128xi32, #tpu.memory_space<vmem>>)
      %gt3A_79 = arith.constant 0 : i32
      %gt3A_80 = arith.cmpi sgt, %add3A_41, %gt3A_79 : i32
      %convert_element_type3A_81 = arith.extui %gt3A_80 : i1 to i32
      %cond3A_82 = arith.constant 0 : i32
      %cond3A_83 = arith.cmpi ne, %convert_element_type3A_81, %cond3A_82 : i32
      scf.if %cond3A_83 {
        %sub3A = arith.constant 256 : i32
        %sub3A_106 = arith.subi %add3A_75, %sub3A : i32
        %dma_wait3A_107 = arith.constant 0 : i32
        %dma_wait3A_108 = tpu.memref_slice %arg5[%sub3A_106, %dma_wait3A_107] : memref<204800x128xf32, #tpu.memory_space<hbm>> -> memref<128x128xf32, #tpu.memory_space<hbm>>
        %dma_wait3A_109 = arith.constant 0 : i32
        %dma_wait3A_110 = tpu.memref_slice %arg5[%sub3A_106, %dma_wait3A_109] : memref<204800x128xf32, #tpu.memory_space<hbm>> -> memref<128x128xf32, #tpu.memory_space<hbm>>
        tpu.wait_dma2 semaphore(%arg19 : memref<!tpu.dma_semaphore, #tpu.memory_space<semaphore_mem>>) src(%arg13 : memref<128x128xf32, #tpu.memory_space<vmem>>) dst(%dma_wait3A_110 : memref<128x128xf32, #tpu.memory_space<hbm>>)
      } else {
      }
      %broadcast_in_dim3A_84 = arith.constant 0 : i32
      %broadcast_in_dim3A_85 = vector.broadcast %broadcast_in_dim3A_84 : i32 to vector<16xi32>
      %swap3A_86 = arith.constant 0 : index
      %swap3A_87 = tpu.vector_load %arg15[%swap3A_86] {strides = array<i32>} : memref<16xi32, #tpu.memory_space<vmem>>, vector<16xi32>,
      tpu.vector_store %arg15[%swap3A_86], %broadcast_in_dim3A_85 {strides = array<i32>} : memref<16xi32, #tpu.memory_space<vmem>>, vector<16xi32>,
      %scan3A_88 = arith.constant 0 : i32
      %scan3A_89 = arith.constant 128 : i32
      %scan3A_90 = arith.addi %scan3A_88, %scan3A_89 : i32
      %scan3A_91 = arith.constant 1 : i32
      scf.for %scan3A_106 = %scan3A_88 to %scan3A_90 step %scan3A_91  : i32 {
        %mul3A_107 = arith.constant 1 : i32
        %mul3A_108 = arith.muli %scan3A_106, %mul3A_107 : i32
        %add3A_109 = arith.constant 0 : i32
        %add3A_110 = arith.addi %add3A_109, %mul3A_108 : i32
        %iota3A = tpu.iota {dimensions = array<i32: 0>} : vector<16xi32>
        %shift_right_arithmetic3A = arith.constant 2 : i32
        %shift_right_arithmetic3A_111 = vector.broadcast %shift_right_arithmetic3A : i32 to vector<16xi32>
        %shift_right_arithmetic3A_112 = arith.shrsi %iota3A, %shift_right_arithmetic3A_111 : vector<16xi32>
        %and3A = arith.constant 3 : i32
        %and3A_113 = vector.broadcast %and3A : i32 to vector<16xi32>
        %and3A_114 = arith.andi %iota3A, %and3A_113 : vector<16xi32>
        %get3A = arith.constant 0 : index
        %get3A_115 = tpu.vector_load %arg15[%get3A] {strides = array<i32>} : memref<16xi32, #tpu.memory_space<vmem>>, vector<16xi32>,
        %gather3A = tpu.vector_load_idx %arg7[%get3A_115] : memref<128xi32, #tpu.memory_space<vmem>>[vector<16xi32>], vector<16xi32>,
        %and3A_116 = arith.constant 3 : i32
        %and3A_117 = vector.broadcast %and3A_116 : i32 to vector<16xi32>
        %and3A_118 = arith.andi %gather3A, %and3A_117 : vector<16xi32>
        %shift_left3A = arith.constant 5 : i32
        %shift_left3A_119 = vector.broadcast %shift_left3A : i32 to vector<16xi32>
        %shift_left3A_120 = arith.shli %and3A_118, %shift_left3A_119 : vector<16xi32>
        %add3A_121 = arith.constant 0 : i32
        %add3A_122 = vector.broadcast %add3A_121 : i32 to vector<16xi32>
        %add3A_123 = arith.addi %add3A_122, %shift_right_arithmetic3A_112 : vector<16xi32>
        %add3A_124 = arith.addi %shift_left3A_120, %add3A_123 : vector<16xi32>
        %gather3A_125 = tpu.vector_load_idx %arg11[%get3A_115, %add3A_124] : memref<128x128xi32, #tpu.memory_space<vmem>>[vector<16xi32>, vector<16xi32>], vector<16xi32>,
        %add3A_126 = arith.constant 4 : i32
        %add3A_127 = vector.broadcast %add3A_126 : i32 to vector<16xi32>
        %add3A_128 = arith.addi %add3A_127, %shift_right_arithmetic3A_112 : vector<16xi32>
        %add3A_129 = arith.addi %shift_left3A_120, %add3A_128 : vector<16xi32>
        %gather3A_130 = tpu.vector_load_idx %arg11[%get3A_115, %add3A_129] : memref<128x128xi32, #tpu.memory_space<vmem>>[vector<16xi32>, vector<16xi32>], vector<16xi32>,
        %add3A_131 = arith.constant 8 : i32
        %add3A_132 = vector.broadcast %add3A_131 : i32 to vector<16xi32>
        %add3A_133 = arith.addi %add3A_132, %shift_right_arithmetic3A_112 : vector<16xi32>
        %add3A_134 = arith.addi %shift_left3A_120, %add3A_133 : vector<16xi32>
        %gather3A_135 = tpu.vector_load_idx %arg11[%get3A_115, %add3A_134] : memref<128x128xi32, #tpu.memory_space<vmem>>[vector<16xi32>, vector<16xi32>], vector<16xi32>,
        %add3A_136 = arith.constant 12 : i32
        %add3A_137 = vector.broadcast %add3A_136 : i32 to vector<16xi32>
        %add3A_138 = arith.addi %add3A_137, %shift_right_arithmetic3A_112 : vector<16xi32>
        %add3A_139 = arith.addi %shift_left3A_120, %add3A_138 : vector<16xi32>
        %gather3A_140 = tpu.vector_load_idx %arg11[%get3A_115, %add3A_139] : memref<128x128xi32, #tpu.memory_space<vmem>>[vector<16xi32>, vector<16xi32>], vector<16xi32>,
        %add3A_141 = arith.constant 16 : i32
        %add3A_142 = vector.broadcast %add3A_141 : i32 to vector<16xi32>
        %add3A_143 = arith.addi %add3A_142, %shift_right_arithmetic3A_112 : vector<16xi32>
        %add3A_144 = arith.addi %shift_left3A_120, %add3A_143 : vector<16xi32>
        %gather3A_145 = tpu.vector_load_idx %arg11[%get3A_115, %add3A_144] : memref<128x128xi32, #tpu.memory_space<vmem>>[vector<16xi32>, vector<16xi32>], vector<16xi32>,
        %add3A_146 = arith.constant 20 : i32
        %add3A_147 = vector.broadcast %add3A_146 : i32 to vector<16xi32>
        %add3A_148 = arith.addi %add3A_147, %shift_right_arithmetic3A_112 : vector<16xi32>
        %add3A_149 = arith.addi %shift_left3A_120, %add3A_148 : vector<16xi32>
        %gather3A_150 = tpu.vector_load_idx %arg11[%get3A_115, %add3A_149] : memref<128x128xi32, #tpu.memory_space<vmem>>[vector<16xi32>, vector<16xi32>], vector<16xi32>,
        %add3A_151 = arith.constant 24 : i32
        %add3A_152 = vector.broadcast %add3A_151 : i32 to vector<16xi32>
        %add3A_153 = arith.addi %add3A_152, %shift_right_arithmetic3A_112 : vector<16xi32>
        %add3A_154 = arith.addi %shift_left3A_120, %add3A_153 : vector<16xi32>
        %gather3A_155 = tpu.vector_load_idx %arg11[%get3A_115, %add3A_154] : memref<128x128xi32, #tpu.memory_space<vmem>>[vector<16xi32>, vector<16xi32>], vector<16xi32>,
        %add3A_156 = arith.constant 28 : i32
        %add3A_157 = vector.broadcast %add3A_156 : i32 to vector<16xi32>
        %add3A_158 = arith.addi %add3A_157, %shift_right_arithmetic3A_112 : vector<16xi32>
        %add3A_159 = arith.addi %shift_left3A_120, %add3A_158 : vector<16xi32>
        %gather3A_160 = tpu.vector_load_idx %arg11[%get3A_115, %add3A_159] : memref<128x128xi32, #tpu.memory_space<vmem>>[vector<16xi32>, vector<16xi32>], vector<16xi32>,
        %shift_left3A_161 = arith.constant 2 : i32
        %shift_left3A_162 = vector.broadcast %shift_left3A_161 : i32 to vector<16xi32>
        %shift_left3A_163 = arith.shli %gather3A_125, %shift_left3A_162 : vector<16xi32>
        %add3A_164 = arith.addi %shift_left3A_163, %and3A_114 : vector<16xi32>
        %gather3A_165 = tpu.vector_load_idx %arg14[%add3A_164] : memref<64xf32, #tpu.memory_space<vmem>>[vector<16xi32>], vector<16xf32>,
        %shift_left3A_166 = arith.constant 2 : i32
        %shift_left3A_167 = vector.broadcast %shift_left3A_166 : i32 to vector<16xi32>
        %shift_left3A_168 = arith.shli %gather3A_130, %shift_left3A_167 : vector<16xi32>
        %add3A_169 = arith.addi %shift_left3A_168, %and3A_114 : vector<16xi32>
        %gather3A_170 = tpu.vector_load_idx %arg14[%add3A_169] : memref<64xf32, #tpu.memory_space<vmem>>[vector<16xi32>], vector<16xf32>,
        %shift_left3A_171 = arith.constant 2 : i32
        %shift_left3A_172 = vector.broadcast %shift_left3A_171 : i32 to vector<16xi32>
        %shift_left3A_173 = arith.shli %gather3A_135, %shift_left3A_172 : vector<16xi32>
        %add3A_174 = arith.addi %shift_left3A_173, %and3A_114 : vector<16xi32>
        %gather3A_175 = tpu.vector_load_idx %arg14[%add3A_174] : memref<64xf32, #tpu.memory_space<vmem>>[vector<16xi32>], vector<16xf32>,
        %shift_left3A_176 = arith.constant 2 : i32
        %shift_left3A_177 = vector.broadcast %shift_left3A_176 : i32 to vector<16xi32>
        %shift_left3A_178 = arith.shli %gather3A_140, %shift_left3A_177 : vector<16xi32>
        %add3A_179 = arith.addi %shift_left3A_178, %and3A_114 : vector<16xi32>
        %gather3A_180 = tpu.vector_load_idx %arg14[%add3A_179] : memref<64xf32, #tpu.memory_space<vmem>>[vector<16xi32>], vector<16xf32>,
        %shift_left3A_181 = arith.constant 2 : i32
        %shift_left3A_182 = vector.broadcast %shift_left3A_181 : i32 to vector<16xi32>
        %shift_left3A_183 = arith.shli %gather3A_145, %shift_left3A_182 : vector<16xi32>
        %add3A_184 = arith.addi %shift_left3A_183, %and3A_114 : vector<16xi32>
        %gather3A_185 = tpu.vector_load_idx %arg14[%add3A_184] : memref<64xf32, #tpu.memory_space<vmem>>[vector<16xi32>], vector<16xf32>,
        %shift_left3A_186 = arith.constant 2 : i32
        %shift_left3A_187 = vector.broadcast %shift_left3A_186 : i32 to vector<16xi32>
        %shift_left3A_188 = arith.shli %gather3A_150, %shift_left3A_187 : vector<16xi32>
        %add3A_189 = arith.addi %shift_left3A_188, %and3A_114 : vector<16xi32>
        %gather3A_190 = tpu.vector_load_idx %arg14[%add3A_189] : memref<64xf32, #tpu.memory_space<vmem>>[vector<16xi32>], vector<16xf32>,
        %shift_left3A_191 = arith.constant 2 : i32
        %shift_left3A_192 = vector.broadcast %shift_left3A_191 : i32 to vector<16xi32>
        %shift_left3A_193 = arith.shli %gather3A_155, %shift_left3A_192 : vector<16xi32>
        %add3A_194 = arith.addi %shift_left3A_193, %and3A_114 : vector<16xi32>
        %gather3A_195 = tpu.vector_load_idx %arg14[%add3A_194] : memref<64xf32, #tpu.memory_space<vmem>>[vector<16xi32>], vector<16xf32>,
        %shift_left3A_196 = arith.constant 2 : i32
        %shift_left3A_197 = vector.broadcast %shift_left3A_196 : i32 to vector<16xi32>
        %shift_left3A_198 = arith.shli %gather3A_160, %shift_left3A_197 : vector<16xi32>
        %add3A_199 = arith.addi %shift_left3A_198, %and3A_114 : vector<16xi32>
        %gather3A_200 = tpu.vector_load_idx %arg14[%add3A_199] : memref<64xf32, #tpu.memory_space<vmem>>[vector<16xi32>], vector<16xf32>,
        %swap3A_201 = arith.index_cast %add3A_110 : i32 to index
        %swap3A_202 = arith.constant 0 : index
        %swap3A_203 = tpu.vector_load %arg13[%swap3A_201, %swap3A_202] {strides = array<i32>} : memref<128x128xf32, #tpu.memory_space<vmem>>, vector<16xf32>,
        tpu.vector_store %arg13[%swap3A_201, %swap3A_202], %gather3A_165 {strides = array<i32>} : memref<128x128xf32, #tpu.memory_space<vmem>>, vector<16xf32>,
        %swap3A_204 = arith.index_cast %add3A_110 : i32 to index
        %swap3A_205 = arith.constant 16 : index
        %swap3A_206 = tpu.vector_load %arg13[%swap3A_204, %swap3A_205] {strides = array<i32>} : memref<128x128xf32, #tpu.memory_space<vmem>>, vector<16xf32>,
        tpu.vector_store %arg13[%swap3A_204, %swap3A_205], %gather3A_170 {strides = array<i32>} : memref<128x128xf32, #tpu.memory_space<vmem>>, vector<16xf32>,
        %swap3A_207 = arith.index_cast %add3A_110 : i32 to index
        %swap3A_208 = arith.constant 32 : index
        %swap3A_209 = tpu.vector_load %arg13[%swap3A_207, %swap3A_208] {strides = array<i32>} : memref<128x128xf32, #tpu.memory_space<vmem>>, vector<16xf32>,
        tpu.vector_store %arg13[%swap3A_207, %swap3A_208], %gather3A_175 {strides = array<i32>} : memref<128x128xf32, #tpu.memory_space<vmem>>, vector<16xf32>,
        %swap3A_210 = arith.index_cast %add3A_110 : i32 to index
        %swap3A_211 = arith.constant 48 : index
        %swap3A_212 = tpu.vector_load %arg13[%swap3A_210, %swap3A_211] {strides = array<i32>} : memref<128x128xf32, #tpu.memory_space<vmem>>, vector<16xf32>,
        tpu.vector_store %arg13[%swap3A_210, %swap3A_211], %gather3A_180 {strides = array<i32>} : memref<128x128xf32, #tpu.memory_space<vmem>>, vector<16xf32>,
        %swap3A_213 = arith.index_cast %add3A_110 : i32 to index
        %swap3A_214 = arith.constant 64 : index
        %swap3A_215 = tpu.vector_load %arg13[%swap3A_213, %swap3A_214] {strides = array<i32>} : memref<128x128xf32, #tpu.memory_space<vmem>>, vector<16xf32>,
        tpu.vector_store %arg13[%swap3A_213, %swap3A_214], %gather3A_185 {strides = array<i32>} : memref<128x128xf32, #tpu.memory_space<vmem>>, vector<16xf32>,
        %swap3A_216 = arith.index_cast %add3A_110 : i32 to index
        %swap3A_217 = arith.constant 80 : index
        %swap3A_218 = tpu.vector_load %arg13[%swap3A_216, %swap3A_217] {strides = array<i32>} : memref<128x128xf32, #tpu.memory_space<vmem>>, vector<16xf32>,
        tpu.vector_store %arg13[%swap3A_216, %swap3A_217], %gather3A_190 {strides = array<i32>} : memref<128x128xf32, #tpu.memory_space<vmem>>, vector<16xf32>,
        %swap3A_219 = arith.index_cast %add3A_110 : i32 to index
        %swap3A_220 = arith.constant 96 : index
        %swap3A_221 = tpu.vector_load %arg13[%swap3A_219, %swap3A_220] {strides = array<i32>} : memref<128x128xf32, #tpu.memory_space<vmem>>, vector<16xf32>,
        tpu.vector_store %arg13[%swap3A_219, %swap3A_220], %gather3A_195 {strides = array<i32>} : memref<128x128xf32, #tpu.memory_space<vmem>>, vector<16xf32>,
        %swap3A_222 = arith.index_cast %add3A_110 : i32 to index
        %swap3A_223 = arith.constant 112 : index
        %swap3A_224 = tpu.vector_load %arg13[%swap3A_222, %swap3A_223] {strides = array<i32>} : memref<128x128xf32, #tpu.memory_space<vmem>>, vector<16xf32>,
        tpu.vector_store %arg13[%swap3A_222, %swap3A_223], %gather3A_200 {strides = array<i32>} : memref<128x128xf32, #tpu.memory_space<vmem>>, vector<16xf32>,
        %add3A_225 = arith.constant 1 : i32
        %add3A_226 = vector.broadcast %add3A_225 : i32 to vector<16xi32>
        %add3A_227 = arith.addi %get3A_115, %add3A_226 : vector<16xi32>
        %swap3A_228 = arith.constant 0 : index
        %swap3A_229 = tpu.vector_load %arg15[%swap3A_228] {strides = array<i32>} : memref<16xi32, #tpu.memory_space<vmem>>, vector<16xi32>,
        tpu.vector_store %arg15[%swap3A_228], %add3A_227 {strides = array<i32>} : memref<16xi32, #tpu.memory_space<vmem>>, vector<16xi32>,
      }
      %scan3A_92 = arith.constant 128 : i32
      %add3A_93 = arith.constant 1 : i32
      %add3A_94 = arith.addi %add3A_41, %add3A_93 : i32
      %add3A_95 = arith.constant 2 : i32
      %add3A_96 = arith.addi %add3A_94, %add3A_95 : i32
      %lt3A_97 = arith.constant 50 : i32
      %lt3A_98 = arith.cmpi slt, %add3A_96, %lt3A_97 : i32
      %convert_element_type3A_99 = arith.extui %lt3A_98 : i1 to i32
      %cond3A_100 = arith.constant 0 : i32
      %cond3A_101 = arith.cmpi ne, %convert_element_type3A_99, %cond3A_100 : i32
      scf.if %cond3A_101 {
        %add3A_106 = arith.constant 256 : i32
        %add3A_107 = arith.addi %add3A_75, %add3A_106 : i32
        "tpu.region"() ({
          %run_scoped3A = tpu.sem_alloc : memref<!tpu.dma_semaphore, #tpu.memory_space<semaphore_mem>>
          %dma_start3A_116 = tpu.memref_slice %arg2[%add3A_107] : memref<204800xi32, #tpu.memory_space<hbm>> -> memref<128xi32, #tpu.memory_space<hbm>>
          %dma_start3A_117 = tpu.memref_slice %arg2[%add3A_107] : memref<204800xi32, #tpu.memory_space<hbm>> -> memref<128xi32, #tpu.memory_space<hbm>>
          tpu.enqueue_dma source(%dma_start3A_117 : memref<128xi32, #tpu.memory_space<hbm>>) target(%arg7 : memref<128xi32, #tpu.memory_space<vmem>>) target_semaphore(%run_scoped3A : memref<!tpu.dma_semaphore, #tpu.memory_space<semaphore_mem>>)
          %dma_wait3A_118 = tpu.memref_slice %arg2[%add3A_107] : memref<204800xi32, #tpu.memory_space<hbm>> -> memref<128xi32, #tpu.memory_space<hbm>>
          %dma_wait3A_119 = tpu.memref_slice %arg2[%add3A_107] : memref<204800xi32, #tpu.memory_space<hbm>> -> memref<128xi32, #tpu.memory_space<hbm>>
          tpu.wait_dma2 semaphore(%run_scoped3A : memref<!tpu.dma_semaphore, #tpu.memory_space<semaphore_mem>>) src(%dma_wait3A_119 : memref<128xi32, #tpu.memory_space<hbm>>) dst(%arg7 : memref<128xi32, #tpu.memory_space<vmem>>)
          tpu.yield
        }) : () -> ()
        %scan3A_108 = arith.constant 0 : i32
        %scan3A_109 = arith.constant 8 : i32
        %scan3A_110 = arith.addi %scan3A_108, %scan3A_109 : i32
        %scan3A_111 = arith.constant 1 : i32
        scf.for %scan3A_116 = %scan3A_108 to %scan3A_110 step %scan3A_111  : i32 {
          %mul3A_117 = arith.constant 1 : i32
          %mul3A_118 = arith.muli %scan3A_116, %mul3A_117 : i32
          %add3A_119 = arith.constant 0 : i32
          %add3A_120 = arith.addi %add3A_119, %mul3A_118 : i32
          %mul3A_121 = arith.constant 16 : i32
          %mul3A_122 = arith.muli %add3A_120, %mul3A_121 : i32
          %get3A = arith.index_cast %mul3A_122 : i32 to index
          %get3A_123 = tpu.vector_load %arg7[%get3A] {strides = array<i32>} : memref<128xi32, #tpu.memory_space<vmem>>, vector<16xi32>,
          %shift_right_arithmetic3A = arith.constant 2 : i32
          %shift_right_arithmetic3A_124 = vector.broadcast %shift_right_arithmetic3A : i32 to vector<16xi32>
          %shift_right_arithmetic3A_125 = arith.shrsi %get3A_123, %shift_right_arithmetic3A_124 : vector<16xi32>
          %mul3A_126 = arith.constant 16 : i32
          %mul3A_127 = arith.muli %add3A_120, %mul3A_126 : i32
          %swap3A_128 = arith.index_cast %mul3A_127 : i32 to index
          %swap3A_129 = tpu.vector_load %arg9[%swap3A_128] {strides = array<i32>} : memref<128xi32, #tpu.memory_space<vmem>>, vector<16xi32>,
          tpu.vector_store %arg9[%swap3A_128], %shift_right_arithmetic3A_125 {strides = array<i32>} : memref<128xi32, #tpu.memory_space<vmem>>, vector<16xi32>,
        }
        %scan3A_112 = arith.constant 8 : i32
        %dma_start3A_113 = arith.constant 0 : i32
        %dma_start3A_114 = arith.constant 0 : i32
        %dma_start3A_115 = tpu.memref_slice %arg3[%dma_start3A_113, %dma_start3A_114] : memref<25000x128xi32, #tpu.memory_space<hbm>> -> memref<25000x128xi32, #tpu.memory_space<hbm>>
        tpu.enqueue_indirect_dma source(%dma_start3A_115 : memref<25000x128xi32, #tpu.memory_space<hbm>>) target(%arg11 : memref<128x128xi32, #tpu.memory_space<vmem>>) offsets(%arg9 : memref<128xi32, #tpu.memory_space<vmem>>) semaphore(%arg17 : memref<!tpu.dma_semaphore, #tpu.memory_space<semaphore_mem>>)
      } else {
      }
      %dma_start3A_102 = arith.constant 0 : i32
      %dma_start3A_103 = tpu.memref_slice %arg5[%add3A_75, %dma_start3A_102] : memref<204800x128xf32, #tpu.memory_space<hbm>> -> memref<128x128xf32, #tpu.memory_space<hbm>>
      %dma_start3A_104 = arith.constant 0 : i32
      %dma_start3A_105 = tpu.memref_slice %arg5[%add3A_75, %dma_start3A_104] : memref<204800x128xf32, #tpu.memory_space<hbm>> -> memref<128x128xf32, #tpu.memory_space<hbm>>
      tpu.enqueue_dma source(%arg13 : memref<128x128xf32, #tpu.memory_space<vmem>>) target(%dma_start3A_105 : memref<128x128xf32, #tpu.memory_space<hbm>>) target_semaphore(%arg19 : memref<!tpu.dma_semaphore, #tpu.memory_space<semaphore_mem>>)
    }
    %scan3A_25 = arith.constant 25 : i32
    %add3A_26 = arith.constant 6144 : i32
    %add3A_27 = arith.addi %mul3A_2, %add3A_26 : i32
    %dma_wait3A = arith.constant 0 : i32
    %dma_wait3A_28 = tpu.memref_slice %arg5[%add3A_27, %dma_wait3A] : memref<204800x128xf32, #tpu.memory_space<hbm>> -> memref<128x128xf32, #tpu.memory_space<hbm>>
    %dma_wait3A_29 = arith.constant 0 : i32
    %dma_wait3A_30 = tpu.memref_slice %arg5[%add3A_27, %dma_wait3A_29] : memref<204800x128xf32, #tpu.memory_space<hbm>> -> memref<128x128xf32, #tpu.memory_space<hbm>>
    tpu.wait_dma2 semaphore(%arg18 : memref<!tpu.dma_semaphore, #tpu.memory_space<semaphore_mem>>) src(%arg12 : memref<128x128xf32, #tpu.memory_space<vmem>>) dst(%dma_wait3A_30 : memref<128x128xf32, #tpu.memory_space<hbm>>)
    %add3A_31 = arith.constant 6272 : i32
    %add3A_32 = arith.addi %mul3A_2, %add3A_31 : i32
    %dma_wait3A_33 = arith.constant 0 : i32
    %dma_wait3A_34 = tpu.memref_slice %arg5[%add3A_32, %dma_wait3A_33] : memref<204800x128xf32, #tpu.memory_space<hbm>> -> memref<128x128xf32, #tpu.memory_space<hbm>>
    %dma_wait3A_35 = arith.constant 0 : i32
    %dma_wait3A_36 = tpu.memref_slice %arg5[%add3A_32, %dma_wait3A_35] : memref<204800x128xf32, #tpu.memory_space<hbm>> -> memref<128x128xf32, #tpu.memory_space<hbm>>
    tpu.wait_dma2 semaphore(%arg19 : memref<!tpu.dma_semaphore, #tpu.memory_space<semaphore_mem>>) src(%arg13 : memref<128x128xf32, #tpu.memory_space<vmem>>) dst(%dma_wait3A_36 : memref<128x128xf32, #tpu.memory_space<hbm>>)
    return
  }
}

</mosaic_0001>

<sc_bundles>
// kernel: _decode.3.cloned.1.call-start
scs
__scs_entry_jumppad:
0x0: {  	(pc) =	sbr.rel $0x88, $3  }
0x1: {  	(tag) =	ssettag $0x0;
	lr =	simm.s32 $0x1  }
0x2: {  	[smem:$0x3F9E] =	sst lr;
	_ =	strace $0xD0000000  }
0x3: {  	_ = 	snop  }
0x4: {  	_ = 	snop  }
0x5: {  	_ = 	snop  }
0x6: {  	_ = 	snop  }
0x7: {  	_ = 	snop  }
__scs_overlays_trampoline_lowered:
0x8: {  	[smem:$0x3FAD] =	sst s0  }
0x9: {  	[smem:$0x3FAE] =	sst s1  }
0xa: {  	[smem:$0x3FAF] =	sst s2  }
0xb: {  	[smem:$0x3FB0] =	sst s3  }
0xc: {  	[smem:$0x3FB1] =	sst s4  }
0xd: {  	[smem:$0x3FB2] =	sst s5  }
0xe: {  	[smem:$0x3FB3] =	sst s6  }
0xf: {  	[smem:$0x3FB4] =	sst s7  }
0x10: {  	[smem:$0x3FB5] =	sst s8  }
0x11: {  	[smem:$0x3FB6] =	sst s9;
	s0 =	simm.s32 @!p0 $0x0  }
0x12: {  	s1 =	sld [smem:$0x3F9C];
	s0 =	simm.s32 @p0 $0x1  }
0x13: {  	[smem:$0x3FB7] =	sst s0;
	s0 =	simm.s32 @!p1 $0x0  }
0x14: {  	s2 =	sld [smem:$0x3F9B];
	s0 =	simm.s32 @p1 $0x1  }
0x15: {  	[smem:$0x3FB8] =	sst s0;
	s0 =	simm.s32 @!p2 $0x0  }
0x16: {  	s3 =	sld [smem:$0x3FDB];
	s0 =	simm.s32 @p2 $0x1  }
0x17: {  	s4 =	simm.s32 $0x1BF5;
	[smem:$0x3FBA] =	sst s0  }
0x18: {  	s0 =	sld [smem:$0x3F9D];
	_ =	swait.ge [sflag:s4], $0x0  }
0x19: {  	s7 =	sld [smem:$0x3F9E]  }
0x1a: {  	s8 =	sadd.s32 $0xFFFFE003, lr  }
0x1b: {  	s9 =	sadd.s32 $0xFFFFFEF7, lr;
	s5 =	simm.s32 $0xFFFFFFFF;
	p2 =	slt.u32 s8, $0xFFFFF086  }
0x1c: {  	p1 =	slt.u32 s9, $0xF7A;
	s5 =	simm.s32 @!p2 $0x0  }
0x1d: {  	s5 =	simm.s32 @p1 $0x1;
	p0 =	seq.s32 s7, s2  }
0x1e: {  	s7 =	smul.u32 @!p0 $0xF7A, s2;
	p2 =	seq.s32 @!p0 s5, $0x0  }
0x1f: {  	s9 =	smul.u32 $0xF7A, s1;
	s8 =	simm.s32 @!p0 $0x1BF5;
	p2 =	por !p2, p0  }
0x20: {  	[sflag:s8] =	ssyncset.s32 @!p0 $0xFFFFF086;
	s6 =	sadd.s32 @!p0 s3, s7;
	s7 =	simm.s32 @!p0 $0x108  }
0x21: {  	s3 =	sadd.s32 s3, s9;
	s6 =	sadd.s32 @!p0 $0x88, s6;
	s7 =	simm.s32 @p2 $0x1082  }
0x22: {  	[simem:s7], [sflag:s8] =	dma.local @!p0 [hbm:s6], $0xF7A  }
0x23: {  	s9 =	sor.u32 $0xD0000000, s2;
	s6 =	simm.s32 $0x108;
	_ =	swait.ge @!p0 [sflag:s8], $0x0  }
0x24: {  	s3 =	sadd.s32 $0x88, s3;
	s6 =	simm.s32 @!p1 $0x1082;
	[sflag:s4] =	ssyncset.s32 $0xFFFFF086  }
0x25: {  	[simem:s6], [sflag:s4] =	dma.local [hbm:s3], $0xF7A  }
0x26: {  	[smem:$0x3F9E] =	sst s1;
	(tag) =	ssettag s2;
	_ =	strace s9  }
0x27: {  	s1 =	sld [smem:$0x3FAE]  }
0x28: {  	s2 =	sld [smem:$0x3FAF]  }
0x29: {  	s4 =	sld [smem:$0x3FB1]  }
0x2a: {  	p0 =	seq.s32 s5, $0x0;
	s5 =	sld [smem:$0x3FB2]  }
0x2b: {  	s6 =	sld [smem:$0x3FB3]  }
0x2c: {  	s7 =	sld [smem:$0x3FB4]  }
0x2d: {  	s3 =	simm.s32 $0x108;
	s8 =	sld [smem:$0x3FB5]  }
0x2e: {  	s3 =	simm.s32 @!p0 $0x1082;
	s9 =	sld [smem:$0x3FB6]  }
0x2f: {  	lr =	sadd.s32 s0, s3;
	s0 =	sld [smem:$0x3FAD]  }
0x30: {  	s3 =	sld [smem:$0x3FB0]  }
0x31: {  	[smem:$0x3FB9] =	sst s10  }
0x32: {  	s10 =	sld [smem:$0x3FB7];
	_ =	sdelay $0x3  }
0x33: {  	p0 =	seq.s32 s10, $0x1;
	s10 =	sld [smem:$0x3FB9];
	_ =	sdelay $0x3  }
0x34: {  	[smem:$0x3FB9] =	sst s10  }
0x35: {  	s10 =	sld [smem:$0x3FB8];
	_ =	sdelay $0x3  }
0x36: {  	p1 =	seq.s32 s10, $0x1;
	s10 =	sld [smem:$0x3FB9];
	_ =	sdelay $0x3  }
0x37: {  	[smem:$0x3FB9] =	sst s10  }
0x38: {  	s10 =	sld [smem:$0x3FBA]  }
0x39: {  	_ = 	snop;
	(pc) =	sbr.ind lr, $3  }
0x3a: {  	_ = 	snop  }
0x3b: {  	_ = 	snop  }
0x3c: {  	p2 =	seq.s32 s10, $0x1;
	s10 =	sld [smem:$0x3FB9]  }
0x3d: {  	_ =	shalt  }
0x3e: {  	_ =	shalt  }
0x3f: {  	_ =	shalt  }
0x40: {  	_ =	shalt  }
0x41: {  	_ =	shalt  }
0x42: {  	_ =	shalt  }
0x43: {  	_ =	shalt  }
0x44: {  	_ =	shalt  }
0x45: {  	_ =	shalt  }
0x46: {  	_ =	shalt  }
0x47: {  	_ =	shalt  }
0x48: {  	_ =	shalt  }
0x49: {  	_ =	shalt  }
0x4a: {  	_ =	shalt  }
0x4b: {  	_ =	shalt  }
0x4c: {  	_ =	shalt  }
0x4d: {  	_ =	shalt  }
0x4e: {  	_ =	shalt  }
0x4f: {  	_ =	shalt  }
0x50: {  	_ =	shalt  }
0x51: {  	_ =	shalt  }
0x52: {  	_ =	shalt  }
0x53: {  	_ =	shalt  }
0x54: {  	_ =	shalt  }
0x55: {  	_ =	shalt  }
0x56: {  	_ =	shalt  }
0x57: {  	_ =	shalt  }
0x58: {  	_ =	shalt  }
0x59: {  	_ =	shalt  }
0x5a: {  	_ =	shalt  }
0x5b: {  	_ =	shalt  }
0x5c: {  	_ =	shalt  }
0x5d: {  	_ =	shalt  }
0x5e: {  	_ =	shalt  }
0x5f: {  	_ =	shalt  }
0x60: {  	_ =	shalt  }
0x61: {  	_ =	shalt  }
0x62: {  	_ =	shalt  }
0x63: {  	_ =	shalt  }
0x64: {  	_ =	shalt  }
0x65: {  	_ =	shalt  }
0x66: {  	_ =	shalt  }
0x67: {  	_ =	shalt  }
0x68: {  	_ =	shalt  }
0x69: {  	_ =	shalt  }
0x6a: {  	_ =	shalt  }
0x6b: {  	_ =	shalt  }
0x6c: {  	_ =	shalt  }
0x6d: {  	_ =	shalt  }
0x6e: {  	_ =	shalt  }
0x6f: {  	_ =	shalt  }
0x70: {  	_ =	shalt  }
0x71: {  	_ =	shalt  }
0x72: {  	_ =	shalt  }
0x73: {  	_ =	shalt  }
0x74: {  	_ =	shalt  }
0x75: {  	_ =	shalt  }
0x76: {  	_ =	shalt  }
0x77: {  	_ =	shalt  }
0x78: {  	_ =	shalt  }
0x79: {  	_ =	shalt  }
0x7a: {  	_ =	shalt  }
0x7b: {  	_ =	shalt  }
0x7c: {  	_ =	shalt  }
0x7d: {  	_ =	shalt  }
0x7e: {  	_ =	shalt  }
0x7f: {  	_ =	shalt  }
0x80: {  	_ =	shalt  }
0x81: {  	_ =	shalt  }
0x82: {  	_ =	shalt  }
0x83: {  	_ =	shalt  }
0x84: {  	_ =	shalt  }
0x85: {  	_ =	shalt  }
0x86: {  	_ =	shalt  }
0x87: {  	_ =	shalt  }
.Lfunc_end0:
.L_simem_size_0:
called_computation_lowered:
.L_overlay_start_0:
0x88: {  	s2 =	sld [smem:$0x3FD9]  }
0x89: {  	s3 =	sld [smem:$0x3FFE];
	_ =	sdelay $0x1  }
0x8a: {  	s1 =	srdreg.scid  }
0x8b: {  	s0 =	sand.u32 $0x1, s1  }
0x8c: {  	s18 =	sshll.u32 s0, $0xA;
	s2 =	sadd.s32 s3, s2  }
0x8d: {  	s2 =	sadd.s32 s2, s18  }
0x8e: {  	[smem:$0x3FC5] =	sst s2  }
0x8f: {  	_ = 	snop  }
0x90: {  	s2 =	sld [smem:$0x3FC9]  }
0x91: {  	s19 =	sld [smem:$0x3FC8]  }
0x92: {  	s4 =	sld [smem:$0x3FC7]  }
0x93: {  	s5 =	sld [smem:$0x3FD0];
	(tm) =	ssettm $0x1  }
0x94: {  	s6 =	sld [smem:$0x3FFB];
	_ =	sdelay $0x3  }
0x95: {  	_ =	strace s6  }
0x96: {  	s6 =	sld [smem:$0x3FFC];
	_ =	sdelay $0x3  }
0x97: {  	_ =	strace s6  }
0x98: {  	s6 =	sld [smem:$0x3FFD];
	_ =	sdelay $0x3  }
0x99: {  	_ =	strace s6  }
0x9a: {  	_ =	strace $0x8FFFFFFF  }
0x9b: {  	s20 =	sld [smem:$0x3FDB];
	_ =	sdelay $0x1  }
0x9c: {  	s7 =	simm.s32 $_scs_section_size  }
0x9d: {  	s8 =	simm.s32 $_size__tile_overlayer_lowered;
	s9 =	simm.s32 $_tile_overlayer_lowered  }
0x9e: {  	s23 =	simm.s32 $0x1BFF;
	s22 =	sshll.u32 s9, $0x1;
	s6 =	sadd.s32 s7, s20  }
0x9f: {  	s10 =	simm.s32 $0x0;
	s21 =	sshll.u32 s8, $0x1;
	s8 =	sadd.s32 s22, s6  }
0xa0: {  	[timem:s10], [sflag:s23] =	dma.local [hbm:s8], s21  }
0xa1: {  	_ =	swait.ge [sflag:s23], s21  }
0xa2: {  	s7 =	ssub.s32 $0x0, s21;
	[sflag:s23] =	ssyncset.done $0x0  }
0xa3: {  	[sflag:s23] =	ssyncadd.s32 s7;
	_ =	sdelay $0x1  }
0xa4: {  	s24 =	simm.s32 $0x1B8B  }
0xa5: {  	_ =	swait.ge [sflag:s24], $0x1  }
0xa6: {  	[sflag:s24] =	ssyncset.done $0x0  }
0xa7: {  	s25 =	simm.s32 $0x1B8E;
	[sflag:s24] =	ssyncadd.s32 $0xFFFFFFFF  }
0xa8: {  	s26 =	simm.s32 $execute0_lowered;
	[smem:$0x3FD2] =	sst s25  }
0xa9: {  	s7 =	sshll.u32 s26, $0x1;
	_ =	strace $0x80000046;
	[dreg:$0x1] =	wrdreg $0xFFFFFFFF  }
0xaa: {  	s28 =	simm.s32 $_size_execute0_lowered;
	s6 =	sadd.s32 s6, s7;
	[dreg:$0x0] =	wrdreg $0x0  }
0xab: {  	s7 =	sshll.u32 s28, $0x1;
	[dreg:$0x2] =	wrdreg s6  }
0xac: {  	[dreg:$0x3] =	wrdreg s7  }
0xad: {  	[dreg:$0x4] =	wrdreg $0xC0  }
0xae: {  	_ =	task [dreg:s10], $0x5FFFF  }
0xaf: {  	[dreg:$0x1] =	wrdreg $0xFFFFFFFF  }
0xb0: {  	[dreg:$0x0] =	wrdreg $0x60  }
0xb1: {  	[dreg:$0x2] =	wrdreg s2  }
0xb2: {  	[dreg:$0x3] =	wrdreg s19  }
0xb3: {  	[dreg:$0x4] =	wrdreg s4  }
0xb4: {  	[dreg:$0x5] =	wrdreg s5  }
0xb5: {  	[dreg:$0x6] =	wrdreg $0x9  }
0xb6: {  	_ =	task.clear_ibuf [dreg:s10], $0x7FFFF;
	_ =	strace $0x90000046  }
0xb7: {  	s29 =	simm.s32 $0x9;
	_ =	strace $0x80000048  }
0xb8: {  	_ =	swait.ge [sflag:s29], $0x1  }
0xb9: {  	[sflag:s29] =	ssyncadd.s32 $0xFFFFFFFF  }
0xba: {  	_ =	strace $0x90000048  }
0xbb: {  	_ =	sfence  }
0xbc: {  	s30 =	sld [smem:$0x0];
	_ =	sdelay $0x2  }
0xbd: {  	s31 =	sshll.u32 s1, $0xD;
	s1 =	sshrl.u32 s1, $0x2  }
0xbe: {  	s3 =	sand.u32 $0x4000, s31;
	s1 =	sadd.s32 s1, s30  }
0xbf: {  	s0 =	sor.u32 s3, s0;
	s1 =	sshll.u32 s1, $0x11  }
0xc0: {  	s0 =	sor.u32 s1, s0  }
0xc1: {  	s0 =	sadd.s32 $0x8F2B, s0  }
0xc2: {  	[sflag:s0] =	ssyncadd.remote.s32 $0x1  }
0xc3: {  	_ =	sfence.sel $0xFFFF  }
0xc4: {  	[dreg:$0x0] =	wrdreg $0xFFFFFFFF;
	(pc) =	sbr.abs _section_cstart, $3  }
0xc5: {  	[dreg:$0x1] =	wrdreg $0xFFFFFFFF  }
0xc6: {  	_ =	task.clear_ibuf [dreg:s10], $0x2FFFF;
	_ =	strace $0x9FFFFFFF  }
0xc7: {  	(tm) =	ssettm $0x7FFFFFFF  }
tec
execute0_lowered:
.L_overlay_start_1:
0x0: {  	(tag) =	ssettag $0x1  }
0x1: {  	s1 =	rddreg [dreg:$0x0]  }
0x2: {  	s3 =	srdreg.scid;
	s2 =	rddreg [dreg:$0x1]  }
0x3: {  	s0 =	stileid.u32;
	s4 =	rddreg [dreg:$0x2]  }
0x4: {  	s5 =	rddreg [dreg:$0x3];
	s7 =	simm.s32 $0x0;
	s11 =	simm.s32 $0x10200  }
0x5: {  	s12 =	simm.s32 $0x5;
	s13 =	simm.s32 $0x80;
	s14 =	simm.s32 $0x100  }
0x6: {  	s15 =	simm.s32 $0x200;
	s16 =	simm.s32 $0x180;
	s17 =	simm.s32 $0x4200  }
0x7: {  	s18 =	simm.s32 $0x1;
	s8 =	sand.u32 $0x1, s3;
	s30 =	sshll.u32 s0, $0x1  }
0x8: {  	s19 =	simm.s32 $0x8200;
	s20 =	simm.s32 $0x2;
	s3 =	sor.u32 s8, s30  }
0x9: {  	v8 =	vlaneseq.u32;
	s21 =	simm.s32 $0xC200;
	s22 =	simm.s32 $0x3;
	s6 =	smul.u32 $0x1900, s3  }
0xa: {  	s23 =	simm.s32 $0x4;
	s24 =	simm.s32 $0x0;
	v0 =	vshrl.u32 v8, $0x2;
	s9 =	ssub.s32 $0x2, s8  }
0xb: {  	[smem:$0x7FF] =	sst s7;
	v8 =	vand.u32 $0x3, v8;
	v1 =	vor.u32 $0x4, v0;
	s10 =	sshrl.u32 s9, $0x1;
	s31 =	sshrl.u32 s6, $0x3  }
0xc: {  	v2 =	vor.u32 $0x8, v0;
	v3 =	vor.u32 $0xC, v0;
	v4 =	vor.u32 $0x10, v0;
	s3 =	rddreg [dreg:$0x4];
	s10 =	ssub.s32 s9, s10;
	s8 =	sadd.s32 s1, s31  }
0xd: {  	v5 =	vor.u32 $0x14, v0;
	v6 =	vor.u32 $0x18, v0;
	v7 =	vor.u32 $0x1C, v0;
	_ =	strace $0x80000047;
	s10 =	smax.u32 s10, $0x1;
	s9 =	sadd.s32 $0x10, s8  }
.LBB2_1:
0xe: {  	[tilespmem:s11], [sflag:$0x5] =	stream.linear.gather [hbm4b:s4+s7], $0x80, $0x38;
	[tilespmem:$0x10300] =	vst v63  }
0xf: {  	_ =	swait.ge [sflag:s12], $0x80  }
0x10: {  	[sflag:s12] =	ssyncset.done $0x0  }
0x11: {  	[sflag:s12] =	ssyncadd.s32 $0xFFFFFF80  }
0x12: {  	[tilespmem:s7], [sflag:$0x5] =	stream.linear.gather [hbm4b:s8+s7], $0x80, $0x38;
	[tilespmem:$0x10300] =	vst v63  }
0x13: {  	_ =	swait.ge [sflag:s12], $0x80  }
0x14: {  	[sflag:s12] =	ssyncset.done $0x0  }
0x15: {  	[sflag:s12] =	ssyncadd.s32 $0xFFFFFF80  }
0x16: {  	v9 =	vld [tilespmem:$0x0]  }
0x17: {  	v10 =	vld [tilespmem:$0x10]  }
0x18: {  	v11 =	vld [tilespmem:$0x20]  }
0x19: {  	v12 =	vld [tilespmem:$0x30]  }
0x1a: {  	v13 =	vld [tilespmem:$0x40]  }
0x1b: {  	v14 =	vld [tilespmem:$0x50];
	v9 =	vshra.s32 v9, $0x2  }
0x1c: {  	[tilespmem:$0x100] =	vst v9;
	v9 =	vshra.s32 v10, $0x2;
	v10 =	vld [tilespmem:$0x60]  }
0x1d: {  	[tilespmem:$0x110] =	vst v9;
	v9 =	vshra.s32 v11, $0x2;
	v11 =	vld [tilespmem:$0x70]  }
0x1e: {  	[tilespmem:$0x120] =	vst v9;
	v9 =	vshra.s32 v12, $0x2  }
0x1f: {  	[tilespmem:$0x130] =	vst v9;
	v9 =	vshra.s32 v13, $0x2  }
0x20: {  	[tilespmem:$0x140] =	vst v9;
	v9 =	vshra.s32 v14, $0x2  }
0x21: {  	[tilespmem:$0x150] =	vst v9;
	v9 =	vshra.s32 v10, $0x2  }
0x22: {  	[tilespmem:$0x160] =	vst v9;
	v9 =	vshra.s32 v11, $0x2  }
0x23: {  	[tilespmem:$0x170] =	vst v9  }
0x24: {  	[tilespmem:s15], [sflag:$0x1] =	stream.indirect.gather [hbm4b:s2+s13], $0x80, s14, s13, $0xb8;
	[tilespmem:$0x10300] =	vst v63  }
0x25: {  	_ = 	snop  }
0x26: {  	[tilespmem:s13], [sflag:$0x5] =	stream.linear.gather [hbm4b:s9+s7], $0x80, $0x38;
	[tilespmem:$0x10300] =	vst v63  }
0x27: {  	_ =	swait.ge [sflag:s12], $0x80  }
0x28: {  	[sflag:s12] =	ssyncset.done $0x0  }
0x29: {  	[sflag:s12] =	ssyncadd.s32 $0xFFFFFF80  }
0x2a: {  	v9 =	vld [tilespmem:$0x80]  }
0x2b: {  	v10 =	vld [tilespmem:$0x90]  }
0x2c: {  	v11 =	vld [tilespmem:$0xA0]  }
0x2d: {  	v61 =	vld [tilespmem:$0xB0]  }
0x2e: {  	v62 =	vld [tilespmem:$0xC0]  }
0x2f: {  	v63 =	vld [tilespmem:$0xD0];
	v9 =	vshra.s32 v9, $0x2  }
0x30: {  	[tilespmem:$0x180] =	vst v9;
	v9 =	vshra.s32 v10, $0x2;
	v10 =	vld [tilespmem:$0xE0]  }
0x31: {  	[tilespmem:$0x190] =	vst v9;
	v9 =	vshra.s32 v11, $0x2;
	v11 =	vld [tilespmem:$0xF0]  }
0x32: {  	[tilespmem:$0x1A0] =	vst v9;
	v9 =	vshra.s32 v61, $0x2  }
0x33: {  	[tilespmem:$0x1B0] =	vst v9;
	v9 =	vshra.s32 v62, $0x2  }
0x34: {  	[tilespmem:$0x1C0] =	vst v9;
	v9 =	vshra.s32 v63, $0x2  }
0x35: {  	[tilespmem:$0x1D0] =	vst v9;
	v9 =	vshra.s32 v10, $0x2  }
0x36: {  	[tilespmem:$0x1E0] =	vst v9;
	v9 =	vshra.s32 v11, $0x2  }
0x37: {  	s25 =	simm.s32 $0x0;
	[tilespmem:$0x1F0] =	vst v9  }
0x38: {  	[tilespmem:s17], [sflag:$0x2] =	stream.indirect.gather [hbm4b:s2+s13], $0x80, s16, s13, $0xb8;
	[tilespmem:$0x10300] =	vst v63  }
.LBB2_2:
0x39: {  	_ =	swait.ge [sflag:s18], $0x4000  }
0x3a: {  	p1 =	seq.s32 s25, $0x0;
	[sflag:s18] =	ssyncset.done $0x0  }
0x3b: {  	s28 =	simm.s32 @!p1 $0x3;
	[sflag:s18] =	ssyncadd.s32 $0xFFFFC000  }
0x3c: {  	_ =	swait.ge @!p1 [sflag:s28], $0x4000  }
0x3d: {  	[sflag:s28] =	ssyncset.done @!p1 $0x0  }
0x3e: {  	s26 =	sshll.u32 s25, $0x8;
	v9 =	vimm.s32 $0x0;
	[sflag:s28] =	ssyncadd.s32 @!p1 $0xFFFFC000  }
0x3f: {  	s29 =	simm.s32 $0x0;
	s28 =	sadd.s32 s6, s26;
	[tilespmem:$0x10280] =	vst v9  }
.LBB2_3:
0x40: {  	_ =	sdelay $0x2  }
0x41: {  	v10 =	vld.idx.msk [tilespmem:v9+s7+$0x0], $0xffff;
	_ =	sdelay $0x4  }
0x42: {  	v10 =	vshll.u32 v10, $0x5  }
0x43: {  	v11 =	vshll.u32 v9, $0x7;
	v10 =	vand.u32 $0x60, v10  }
0x44: {  	v10 =	vor.u32 v11, v10  }
0x45: {  	v11 =	vor.u32 v0, v10  }
0x46: {  	v12 =	vor.u32 v1, v10  }
0x47: {  	v13 =	vor.u32 v2, v10  }
0x48: {  	v14 =	vor.u32 v3, v10  }
0x49: {  	v15 =	vor.u32 v4, v10  }
0x4a: {  	v16 =	vor.u32 v5, v10;
	v11 =	vld.idx.msk [tilespmem:v11+s15+$0x0], $0xffff  }
0x4b: {  	v17 =	vor.u32 v6, v10;
	v12 =	vld.idx.msk [tilespmem:v12+s15+$0x0], $0xffff  }
0x4c: {  	v10 =	vor.u32 v7, v10;
	v13 =	vld.idx.msk [tilespmem:v13+s15+$0x0], $0xffff  }
0x4d: {  	v14 =	vld.idx.msk [tilespmem:v14+s15+$0x0], $0xffff  }
0x4e: {  	v15 =	vld.idx.msk [tilespmem:v15+s15+$0x0], $0xffff  }
0x4f: {  	v16 =	vld.idx.msk [tilespmem:v16+s15+$0x0], $0xffff;
	v11 =	vshll.u32 v11, $0x2  }
0x50: {  	v17 =	vld.idx.msk [tilespmem:v17+s15+$0x0], $0xffff;
	v12 =	vshll.u32 v12, $0x2;
	v11 =	vor.u32 v8, v11  }
0x51: {  	v10 =	vld.idx.msk [tilespmem:v10+s15+$0x0], $0xffff;
	v13 =	vshll.u32 v13, $0x2;
	v12 =	vor.u32 v8, v12  }
0x52: {  	v14 =	vshll.u32 v14, $0x2;
	v13 =	vor.u32 v8, v13  }
0x53: {  	v15 =	vshll.u32 v15, $0x2;
	v14 =	vor.u32 v8, v14  }
0x54: {  	v16 =	vshll.u32 v16, $0x2;
	v15 =	vor.u32 v8, v15  }
0x55: {  	v17 =	vshll.u32 v17, $0x2;
	v16 =	vor.u32 v8, v16;
	v11 =	vld.idx.msk [tilespmem:v11+s11+$0x0], $0xffff  }
0x56: {  	v10 =	vshll.u32 v10, $0x2;
	v17 =	vor.u32 v8, v17;
	v12 =	vld.idx.msk [tilespmem:v12+s11+$0x0], $0xffff  }
0x57: {  	v10 =	vor.u32 v8, v10;
	v13 =	vld.idx.msk [tilespmem:v13+s11+$0x0], $0xffff  }
0x58: {  	v14 =	vld.idx.msk [tilespmem:v14+s11+$0x0], $0xffff  }
0x59: {  	v15 =	vld.idx.msk [tilespmem:v15+s11+$0x0], $0xffff  }
0x5a: {  	v16 =	vld.idx.msk [tilespmem:v16+s11+$0x0], $0xffff  }
0x5b: {  	s30 =	sshra.s32 s29, $0x2;
	v17 =	vld.idx.msk [tilespmem:v17+s11+$0x0], $0xffff  }
0x5c: {  	v10 =	vld.idx.msk [tilespmem:v10+s11+$0x0], $0xffff;
	[tilespmem:s30+$0x8200] =	vst v11  }
0x5d: {  	[tilespmem:s30+$0x8210] =	vst v12  }
0x5e: {  	[tilespmem:s30+$0x8220] =	vst v13  }
0x5f: {  	p0 =	sne.s32 s29, $0xFE00;
	[tilespmem:s30+$0x8230] =	vst v14  }
.Ltmp0:
0x60: {  	[tilespmem:s30+$0x8240] =	vst v15;
	(pc) =	sbr.rel @p0 .LBB2_3-.Ltmp0, $4  }
0x61: {  	[tilespmem:s30+$0x8250] =	vst v16  }
0x62: {  	[tilespmem:s30+$0x8260] =	vst v17  }
0x63: {  	v9 =	vadd.s32 $0x1, v9;
	[tilespmem:s30+$0x8270] =	vst v10  }
0x64: {  	s29 =	sadd.s32 $0x200, s29;
	[tilespmem:$0x10280] =	vst v9  }
0x65: {  	p0 =	seq.s32 s25, $0x18  }
0x66: {  	s29 =	sshrl.u32 @!p0 s28, $0x3  }
0x67: {  	s29 =	sadd.s32 @!p0 s1, s29  }
0x68: {  	s30 =	simm.s32 @!p0 $0x0;
	s29 =	sadd.s32 @!p0 $0x20, s29  }
0x69: {  	[tilespmem:s30], [sflag:$0x5] =	stream.linear.gather @!p0 [hbm4b:s29+s30], $0x80, $0x38;
	[tilespmem:$0x10300] =	vst v63  }
0x6a: {  	s29 =	simm.s32 @!p0 $0x5  }
0x6b: {  	_ =	swait.ge @!p0 [sflag:s29], $0x80  }
0x6c: {  	[sflag:s29] =	ssyncset.done @!p0 $0x0  }
0x6d: {  	[sflag:s29] =	ssyncadd.s32 @!p0 $0xFFFFFF80  }
0x6e: {  	v9 =	vld @!p0 [tilespmem:$0x0]  }
0x6f: {  	v10 =	vld @!p0 [tilespmem:$0x10]  }
0x70: {  	v11 =	vld @!p0 [tilespmem:$0x20]  }
0x71: {  	v12 =	vld @!p0 [tilespmem:$0x30]  }
0x72: {  	v13 =	vld @!p0 [tilespmem:$0x40]  }
0x73: {  	v14 =	vld @!p0 [tilespmem:$0x50];
	v9 =	vshra.s32 @!p0 v9, $0x2  }
0x74: {  	[tilespmem:$0x100] =	vst @!p0 v9;
	v9 =	vshra.s32 @!p0 v10, $0x2;
	v10 =	vld @!p0 [tilespmem:$0x60]  }
0x75: {  	[tilespmem:$0x110] =	vst @!p0 v9;
	v9 =	vshra.s32 @!p0 v11, $0x2;
	v11 =	vld @!p0 [tilespmem:$0x70]  }
0x76: {  	[tilespmem:$0x120] =	vst @!p0 v9;
	v9 =	vshra.s32 @!p0 v12, $0x2  }
0x77: {  	[tilespmem:$0x130] =	vst @!p0 v9;
	v9 =	vshra.s32 @!p0 v13, $0x2  }
0x78: {  	[tilespmem:$0x140] =	vst @!p0 v9;
	v9 =	vshra.s32 @!p0 v14, $0x2  }
0x79: {  	[tilespmem:$0x150] =	vst @!p0 v9;
	v9 =	vshra.s32 @!p0 v10, $0x2  }
0x7a: {  	s31 =	simm.s32 @!p0 $0x200;
	[tilespmem:$0x160] =	vst @!p0 v9;
	v9 =	vshra.s32 @!p0 v11, $0x2  }
0x7b: {  	s28 =	sshll.u32 s28, $0x4;
	s30 =	simm.s32 @!p0 $0x100;
	s29 =	simm.s32 @!p0 $0x80;
	[tilespmem:$0x170] =	vst @!p0 v9  }
0x7c: {  	[tilespmem:s31], [sflag:$0x1] =	stream.indirect.gather @!p0 [hbm4b:s2+s29], $0x80, s30, s29, $0xb8;
	[tilespmem:$0x10300] =	vst v63  }
0x7d: {  	s28 =	sadd.s32 s5, s28  }
0x7e: {  	[hbm4b:s28+s7] =	stream.linear.scatter [tilespmem:s19], [sflag:$0x3], $0x4000, $0x38;
	[tilespmem:$0x10300] =	vst v63  }
0x7f: {  	_ =	swait.ge [sflag:s20], $0x4000  }
0x80: {  	[sflag:s20] =	ssyncset.done $0x0  }
0x81: {  	s28 =	simm.s32 @!p1 $0x4;
	[sflag:s20] =	ssyncadd.s32 $0xFFFFC000  }
0x82: {  	_ =	swait.ge @!p1 [sflag:s28], $0x4000  }
0x83: {  	[sflag:s28] =	ssyncset.done @!p1 $0x0  }
0x84: {  	s26 =	sadd.s32 s26, s6;
	v9 =	vimm.s32 $0x0;
	[sflag:s28] =	ssyncadd.s32 @!p1 $0xFFFFC000  }
0x85: {  	s26 =	sadd.s32 $0x80, s26;
	s28 =	simm.s32 $0x0;
	[tilespmem:$0x10280] =	vst v9  }
.LBB2_5:
0x86: {  	_ =	sdelay $0x2  }
0x87: {  	v10 =	vld.idx.msk [tilespmem:v9+s13+$0x0], $0xffff;
	_ =	sdelay $0x4  }
0x88: {  	v10 =	vshll.u32 v10, $0x5  }
0x89: {  	v11 =	vshll.u32 v9, $0x7;
	v10 =	vand.u32 $0x60, v10  }
0x8a: {  	v10 =	vor.u32 v11, v10  }
0x8b: {  	v11 =	vor.u32 v0, v10  }
0x8c: {  	v12 =	vor.u32 v1, v10  }
0x8d: {  	v13 =	vor.u32 v2, v10  }
0x8e: {  	v14 =	vor.u32 v3, v10  }
0x8f: {  	v15 =	vor.u32 v4, v10  }
0x90: {  	v16 =	vor.u32 v5, v10;
	v11 =	vld.idx.msk [tilespmem:v11+s17+$0x0], $0xffff  }
0x91: {  	v17 =	vor.u32 v6, v10;
	v12 =	vld.idx.msk [tilespmem:v12+s17+$0x0], $0xffff  }
0x92: {  	v10 =	vor.u32 v7, v10;
	v13 =	vld.idx.msk [tilespmem:v13+s17+$0x0], $0xffff  }
0x93: {  	v14 =	vld.idx.msk [tilespmem:v14+s17+$0x0], $0xffff  }
0x94: {  	v15 =	vld.idx.msk [tilespmem:v15+s17+$0x0], $0xffff  }
0x95: {  	v16 =	vld.idx.msk [tilespmem:v16+s17+$0x0], $0xffff;
	v11 =	vshll.u32 v11, $0x2  }
0x96: {  	v17 =	vld.idx.msk [tilespmem:v17+s17+$0x0], $0xffff;
	v12 =	vshll.u32 v12, $0x2;
	v11 =	vor.u32 v8, v11  }
0x97: {  	v10 =	vld.idx.msk [tilespmem:v10+s17+$0x0], $0xffff;
	v13 =	vshll.u32 v13, $0x2;
	v12 =	vor.u32 v8, v12  }
0x98: {  	v14 =	vshll.u32 v14, $0x2;
	v13 =	vor.u32 v8, v13  }
0x99: {  	v15 =	vshll.u32 v15, $0x2;
	v14 =	vor.u32 v8, v14  }
0x9a: {  	v16 =	vshll.u32 v16, $0x2;
	v15 =	vor.u32 v8, v15  }
0x9b: {  	v17 =	vshll.u32 v17, $0x2;
	v16 =	vor.u32 v8, v16;
	v11 =	vld.idx.msk [tilespmem:v11+s11+$0x0], $0xffff  }
0x9c: {  	v10 =	vshll.u32 v10, $0x2;
	v17 =	vor.u32 v8, v17;
	v12 =	vld.idx.msk [tilespmem:v12+s11+$0x0], $0xffff  }
0x9d: {  	v10 =	vor.u32 v8, v10;
	v13 =	vld.idx.msk [tilespmem:v13+s11+$0x0], $0xffff  }
0x9e: {  	v14 =	vld.idx.msk [tilespmem:v14+s11+$0x0], $0xffff  }
0x9f: {  	v15 =	vld.idx.msk [tilespmem:v15+s11+$0x0], $0xffff  }
0xa0: {  	v16 =	vld.idx.msk [tilespmem:v16+s11+$0x0], $0xffff  }
0xa1: {  	s29 =	sshra.s32 s28, $0x2;
	v17 =	vld.idx.msk [tilespmem:v17+s11+$0x0], $0xffff  }
0xa2: {  	v10 =	vld.idx.msk [tilespmem:v10+s11+$0x0], $0xffff;
	[tilespmem:s29+$0xC200] =	vst v11  }
0xa3: {  	[tilespmem:s29+$0xC210] =	vst v12  }
0xa4: {  	[tilespmem:s29+$0xC220] =	vst v13  }
0xa5: {  	p1 =	sne.s32 s28, $0xFE00;
	[tilespmem:s29+$0xC230] =	vst v14  }
.Ltmp1:
0xa6: {  	[tilespmem:s29+$0xC240] =	vst v15;
	(pc) =	sbr.rel @p1 .LBB2_5-.Ltmp1, $4  }
0xa7: {  	[tilespmem:s29+$0xC250] =	vst v16  }
0xa8: {  	[tilespmem:s29+$0xC260] =	vst v17  }
0xa9: {  	v9 =	vadd.s32 $0x1, v9;
	[tilespmem:s29+$0xC270] =	vst v10  }
0xaa: {  	s28 =	sadd.s32 $0x200, s28;
	[tilespmem:$0x10280] =	vst v9  }
0xab: {  	s28 =	sshrl.u32 @!p0 s26, $0x3  }
0xac: {  	s28 =	sadd.s32 @!p0 s1, s28  }
0xad: {  	s29 =	simm.s32 @!p0 $0x0;
	s30 =	simm.s32 @!p0 $0x80;
	s28 =	sadd.s32 @!p0 $0x20, s28  }
0xae: {  	[tilespmem:s30], [sflag:$0x5] =	stream.linear.gather @!p0 [hbm4b:s28+s29], $0x80, $0x38;
	[tilespmem:$0x10300] =	vst v63  }
0xaf: {  	s28 =	simm.s32 @!p0 $0x5  }
0xb0: {  	_ =	swait.ge @!p0 [sflag:s28], $0x80  }
0xb1: {  	[sflag:s28] =	ssyncset.done @!p0 $0x0  }
0xb2: {  	[sflag:s28] =	ssyncadd.s32 @!p0 $0xFFFFFF80  }
0xb3: {  	v9 =	vld @!p0 [tilespmem:$0x80]  }
0xb4: {  	v10 =	vld @!p0 [tilespmem:$0x90]  }
0xb5: {  	v11 =	vld @!p0 [tilespmem:$0xA0]  }
0xb6: {  	v12 =	vld @!p0 [tilespmem:$0xB0]  }
0xb7: {  	v13 =	vld @!p0 [tilespmem:$0xC0]  }
0xb8: {  	v14 =	vld @!p0 [tilespmem:$0xD0];
	v9 =	vshra.s32 @!p0 v9, $0x2  }
0xb9: {  	[tilespmem:$0x180] =	vst @!p0 v9;
	v9 =	vshra.s32 @!p0 v10, $0x2;
	v10 =	vld @!p0 [tilespmem:$0xE0]  }
0xba: {  	[tilespmem:$0x190] =	vst @!p0 v9;
	v9 =	vshra.s32 @!p0 v11, $0x2;
	v11 =	vld @!p0 [tilespmem:$0xF0]  }
0xbb: {  	[tilespmem:$0x1A0] =	vst @!p0 v9;
	v9 =	vshra.s32 @!p0 v12, $0x2  }
0xbc: {  	[tilespmem:$0x1B0] =	vst @!p0 v9;
	v9 =	vshra.s32 @!p0 v13, $0x2  }
0xbd: {  	[tilespmem:$0x1C0] =	vst @!p0 v9;
	v9 =	vshra.s32 @!p0 v14, $0x2  }
0xbe: {  	[tilespmem:$0x1D0] =	vst @!p0 v9;
	v9 =	vshra.s32 @!p0 v10, $0x2  }
0xbf: {  	[tilespmem:$0x1E0] =	vst @!p0 v9;
	v9 =	vshra.s32 @!p0 v11, $0x2  }
0xc0: {  	s25 =	sadd.s32 $0x1, s25;
	s29 =	simm.s32 @!p0 $0x4200;
	s28 =	simm.s32 @!p0 $0x180;
	[tilespmem:$0x1F0] =	vst @!p0 v9  }
0xc1: {  	[tilespmem:s29], [sflag:$0x2] =	stream.indirect.gather @!p0 [hbm4b:s2+s30], $0x80, s28, s30, $0xb8;
	[tilespmem:$0x10300] =	vst v63  }
0xc2: {  	p0 =	sne.s32 s25, $0x19  }
.Ltmp2:
0xc3: {  	_ = 	snop;
	(pc) =	sbr.rel @p0 .LBB2_2-.Ltmp2, $4  }
0xc4: {  	_ = 	snop  }
0xc5: {  	s31 =	sshll.u32 s26, $0x4  }
0xc6: {  	s26 =	sadd.s32 s5, s31  }
0xc7: {  	[hbm4b:s26+s7] =	stream.linear.scatter [tilespmem:s21], [sflag:$0x4], $0x4000, $0x38;
	[tilespmem:$0x10300] =	vst v63  }
0xc8: {  	s24 =	sadd.s32 $0x1, s24  }
0xc9: {  	_ =	swait.ge [sflag:s22], $0x4000;
	p0 =	sne.s32 s24, s10  }
.Ltmp3:
0xca: {  	[sflag:s22] =	ssyncset.done $0x0;
	(pc) =	sbr.rel @p0 .LBB2_1-.Ltmp3, $4  }
0xcb: {  	[sflag:s22] =	ssyncadd.s32 $0xFFFFC000  }
0xcc: {  	_ =	swait.ge [sflag:s23], $0x4000  }
0xcd: {  	[sflag:s23] =	ssyncset.done $0x0  }
0xce: {  	[sflag:s23] =	ssyncadd.s32 $0xFFFFC000  }
0xcf: {  	_ =	sfence.sel $0x180000  }
0xd0: {  	[bflag:$0x0] =	sbarrier.arrive $0xFFFF  }
0xd1: {  	p0 =	sne.s32 s0, $0x0;
	_ =	strace $0x90000047  }
0xd2: {  	s0 =	sadd.s32 @!p0 $0x100000, s3;
	[bflag:$0x2] =	sbarrier.arrive $0xFFFF  }
0xd3: {  	[sflag:s0] =	ssyncadd.tile.s32 @!p0 $0x1;
	_ =	shalt  }
.Lfunc_end2:
_tile_overlayer_lowered:
.L_overlay_start_2:
0xd4: {  	(tag) =	ssettag $0x2  }
0xd5: {  	s0 =	rddreg [dreg:$0x0];
	s2 =	stileid.u32  }
0xd6: {  	s1 =	rddreg [dreg:$0x1];
	p0 =	sne.s32 s2, $0x0  }
0xd7: {  	s3 =	rddreg [dreg:$0x2];
	[bflag:$0x3] =	sbarrier.arrive $0xFFFF;
	s2 =	simm.s32 @!p0 $0x1C05  }
0xd8: {  	[timem:s3], [sflag:s2] =	dma.local @!p0 [hbm:s0], s1  }
0xd9: {  	s0 =	simm.s32 @!p0 $0x5  }
0xda: {  	_ =	swait.ge @!p0 [sflag:s0], s1  }
0xdb: {  	s1 =	ssub.s32 @!p0 $0x0, s1;
	[sflag:s0] =	ssyncset.done @!p0 $0x0  }
0xdc: {  	[sflag:s0] =	ssyncadd.s32 @!p0 s1  }
0xdd: {  	[bflag:$0x3] =	sbarrier.arrive $0xFFFF  }
0xde: {  	_ =	shalt  }

</sc_bundles>
